<compile_context>
chip_gen: v7x
topology: tpu7x:2x2x1
jax: 0.10.2.dev20260603
libtpu: 0.0.44.dev20260713+nightly
codegen_flags: <defaults>
</compile_context>

<pallas_src>
import jax
import jax.numpy as jnp
from jax import lax
from jax.experimental import pallas as pl
from jax.experimental.pallas import tpu as pltpu
from jax.experimental.pallas import tpu_sc as plsc

NC, NS, L = 2, 16, 16
NW = NC * NS

B = 16384
F = 26
BPW = B // NW
IPW = F * BPW


V = 1000000
RS = 15632
RSL = 15520
CH = 4 * RS


def _sc_body(xt_hbm, tablet_hbm, bias_hbm, out_hbm, idx_v, vals_v, bias_v,
             out_v, tab_s, buf0, buf1, sem, sem2, sem3):
    sid = lax.axis_index("s")
    wid = sid * NC + lax.axis_index("c")
    base = wid * BPW

    def pack_one(f, carry):
        pltpu.async_copy(xt_hbm.at[f, pl.ds(base, BPW)],
                         idx_v.at[pl.ds(f * BPW, BPW)], sem2)
        return carry

    lax.fori_loop(0, F, pack_one, 0)
    pltpu.sync_copy(bias_hbm, bias_v.at[pl.ds(0, 1)])

    table1 = tablet_hbm.at[0]

    def stage(off, rs, n):
        bufs = [buf0, buf1]
        for r in range(4):
            b = bufs[r % 2].at[pl.ds(0, rs)]
            if r >= 2:
                pltpu.make_async_copy(
                    b, tab_s.at[pl.ds(off + (r - 2) * rs, rs)], sem3).wait()
            pltpu.sync_copy(table1.at[pl.ds(off + r * rs, rs)], b)
            pltpu.async_copy(b, tab_s.at[pl.ds(off + r * rs, rs)], sem3)
        for r in range(2, 4):
            b = bufs[r % 2].at[pl.ds(0, rs)]
            pltpu.make_async_copy(
                b, tab_s.at[pl.ds(off + r * rs, rs)], sem3).wait()

    @pl.when(sid < 15)
    def _():
        stage(sid * CH, RS, 4)

    @pl.when(sid == 15)
    def _():
        stage(15 * CH, RSL, 4)

    def drain_one(f, carry):
        pltpu.make_async_copy(xt_hbm.at[f, pl.ds(base, BPW)],
                              idx_v.at[pl.ds(f * BPW, BPW)], sem2).wait()
        return carry

    lax.fori_loop(0, F, drain_one, 0)

    plsc.subcore_barrier()

    pltpu.async_copy(tab_s.at[idx_v], vals_v, sem).wait()

    bias_vec = jnp.full((L,), bias_v[...][0], jnp.float32)

    def reduce_one(g, carry):
        o = g * L
        acc = bias_vec
        for f in range(F):
            acc = acc + vals_v[pl.ds(f * BPW + o, L)]
        out_v[pl.ds(o, L)] = acc
        return carry

    lax.fori_loop(0, BPW // L, reduce_one, 0)
    pltpu.sync_copy(out_v, out_hbm.at[pl.ds(base, BPW)])


def kernel(X, table, bias):
    Xt = X.astype(jnp.int32).T
    tablet = table.T
    bias1 = bias.astype(jnp.float32)

    mesh = plsc.VectorSubcoreMesh(core_axis_name="c", subcore_axis_name="s")
    out = pl.kernel(
        _sc_body,
        out_type=jax.ShapeDtypeStruct((B,), jnp.float32),
        mesh=mesh,
        scratch_types=[
            pltpu.VMEM((IPW,), jnp.int32),
            pltpu.VMEM((IPW,), jnp.float32),
            pltpu.VMEM((L,), jnp.float32),
            pltpu.VMEM((BPW,), jnp.float32),
            pltpu.VMEM_SHARED((V,), jnp.float32),
            pltpu.VMEM((RS,), jnp.float32),
            pltpu.VMEM((RS,), jnp.float32),
            pltpu.SemaphoreType.DMA,
            pltpu.SemaphoreType.DMA,
            pltpu.SemaphoreType.DMA,
        ],
    )(Xt, tablet, bias1)
    return out.reshape(B, 1)

# --- scband reference (transcript-rebuilt; emitter-appended) ---
"""Pipeline reference for scband-lr-layer-32530082299938 (READ-ONLY COPY).

The authoritative reference and input builder live on the scoring server;
editing this copy changes nothing except your own understanding.
"""

import jax, jax.numpy as jnp
import numpy as np

VOCAB = 1000000
BATCH = 16384
N_FIELDS = 26


def setup_inputs(seed: int = 0) -> dict:
    key = jax.random.key(seed)
    k1, k2 = jax.random.split(key)
    X = jax.random.randint(k1, (BATCH, N_FIELDS), 0, VOCAB)
    table = jax.random.normal(k2, (VOCAB, 1), dtype=jnp.float32) * 0.01
    bias = jnp.zeros((1,), dtype=jnp.float32)
    return {"X": X, "table": table, "bias": bias}


def reference(X, table, bias):
    # EmbeddingLayer(feature_map, 1): per-feature scalar weight lookup
    embed_weights = jnp.take(table, X, axis=0)  # [B, F, 1]
    # sum over field dimension (dim=-2)
    output = embed_weights.sum(axis=-2)  # [B, 1]
    # X.ndim == 2, so no retrieval aggregation branch
    output = output + bias  # use_bias=True
    # output_activation is None
    return output

if __name__ == "__main__":
    import jax
    _d = setup_inputs()
    print(jax.jit(kernel)(*tuple(_d.values())))

</pallas_src>

<mosaic_0001>
#map = affine_map<(d0, d1) -> (0, 0)>
#map1 = affine_map<(d0, d1) -> (0)>
module attributes {stable_mosaic.version = 14 : i64} {
  func.func @_sc_body(%arg0: i32, %arg1: i32, %arg2: memref<26x16384xi32, #tpu.memory_space<hbm>>, %arg3: memref<1x1000000xf32, #tpu.memory_space<hbm>>, %arg4: memref<1xf32, #tpu.memory_space<hbm>>, %arg5: memref<16384xf32, #tpu.memory_space<hbm>>, %arg6: memref<13312xi32, #tpu.memory_space<vmem>>, %arg7: memref<13312xf32, #tpu.memory_space<vmem>>, %arg8: memref<16xf32, #tpu.memory_space<vmem>>, %arg9: memref<512xf32, #tpu.memory_space<vmem>>, %arg10: memref<1000000xf32, #tpu.memory_space<vmem_shared>>, %arg11: memref<15632xf32, #tpu.memory_space<vmem>>, %arg12: memref<15632xf32, #tpu.memory_space<vmem>>, %arg13: memref<!tpu.dma_semaphore, #tpu.memory_space<semaphore_mem>>, %arg14: memref<!tpu.dma_semaphore, #tpu.memory_space<semaphore_mem>>, %arg15: memref<!tpu.dma_semaphore, #tpu.memory_space<semaphore_mem>>) attributes {dimension_semantics = [#tpu.dimension_semantics<core_parallel>, #tpu.dimension_semantics<subcore_parallel>], iteration_bounds = array<i64: 2, 16>, scalar_prefetch = 0 : i64, scratch_operands = 10 : i64, tpu.core_type = #tpu.core_type<sc_vector_subcore>, window_params = [{transform_indices = #map}, {transform_indices = #map}, {transform_indices = #map1}, {transform_indices = #map1}]} {
    %mul3A = arith.constant 2 : i32
    %mul3A_0 = arith.muli %arg1, %mul3A : i32
    %add3A = arith.addi %mul3A_0, %arg0 : i32
    %mul3A_1 = arith.constant 512 : i32
    %mul3A_2 = arith.muli %add3A, %mul3A_1 : i32
    %scan3A = arith.constant 0 : i32
    %scan3A_3 = arith.constant 0 : i32
    %scan3A_4 = arith.constant 26 : i32
    %scan3A_5 = arith.addi %scan3A_3, %scan3A_4 : i32
    %scan3A_6 = arith.constant 1 : i32
    scf.for %scan3A_32 = %scan3A_3 to %scan3A_5 step %scan3A_6  : i32 {
      %mul3A_33 = arith.constant 512 : i32
      %mul3A_34 = arith.muli %scan3A_32, %mul3A_33 : i32
      %dma_start3A_35 = tpu.memref_slice %arg6[%mul3A_34] : memref<13312xi32, #tpu.memory_space<vmem>> -> memref<512xi32, #tpu.memory_space<vmem>>
      %dma_start3A_36 = tpu.memref_slice %arg2[%scan3A_32, %mul3A_2] : memref<26x16384xi32, #tpu.memory_space<hbm>> -> memref<1x512xi32, #tpu.memory_space<hbm>>
      %dma_start3A_37 = tpu.memref_squeeze %dma_start3A_36 : memref<1x512xi32, #tpu.memory_space<hbm>> -> memref<512xi32, #tpu.memory_space<hbm>>
      %dma_start3A_38 = tpu.memref_slice %arg6[%mul3A_34] : memref<13312xi32, #tpu.memory_space<vmem>> -> memref<512xi32, #tpu.memory_space<vmem>>
      %dma_start3A_39 = tpu.memref_slice %arg2[%scan3A_32, %mul3A_2] : memref<26x16384xi32, #tpu.memory_space<hbm>> -> memref<1x512xi32, #tpu.memory_space<hbm>>
      %dma_start3A_40 = tpu.memref_squeeze %dma_start3A_39 : memref<1x512xi32, #tpu.memory_space<hbm>> -> memref<512xi32, #tpu.memory_space<hbm>>
      tpu.enqueue_dma source(%dma_start3A_40 : memref<512xi32, #tpu.memory_space<hbm>>) target(%dma_start3A_38 : memref<512xi32, #tpu.memory_space<vmem>>) target_semaphore(%arg14 : memref<!tpu.dma_semaphore, #tpu.memory_space<semaphore_mem>>)
    }
    %scan3A_7 = arith.constant 26 : i32
    "tpu.region"() ({
      %run_scoped3A = tpu.sem_alloc : memref<!tpu.dma_semaphore, #tpu.memory_space<semaphore_mem>>
      %dma_start3A_32 = arith.constant 0 : i32
      %dma_start3A_33 = tpu.memref_slice %arg8[%dma_start3A_32] : memref<16xf32, #tpu.memory_space<vmem>> -> memref<1xf32, #tpu.memory_space<vmem>>
      %dma_start3A_34 = arith.constant 0 : i32
      %dma_start3A_35 = tpu.memref_slice %arg8[%dma_start3A_34] : memref<16xf32, #tpu.memory_space<vmem>> -> memref<1xf32, #tpu.memory_space<vmem>>
      tpu.enqueue_dma source(%arg4 : memref<1xf32, #tpu.memory_space<hbm>>) target(%dma_start3A_35 : memref<1xf32, #tpu.memory_space<vmem>>) target_semaphore(%run_scoped3A : memref<!tpu.dma_semaphore, #tpu.memory_space<semaphore_mem>>)
      %dma_wait3A_36 = arith.constant 0 : i32
      %dma_wait3A_37 = tpu.memref_slice %arg8[%dma_wait3A_36] : memref<16xf32, #tpu.memory_space<vmem>> -> memref<1xf32, #tpu.memory_space<vmem>>
      %dma_wait3A_38 = arith.constant 0 : i32
      %dma_wait3A_39 = tpu.memref_slice %arg8[%dma_wait3A_38] : memref<16xf32, #tpu.memory_space<vmem>> -> memref<1xf32, #tpu.memory_space<vmem>>
      tpu.wait_dma2 semaphore(%run_scoped3A : memref<!tpu.dma_semaphore, #tpu.memory_space<semaphore_mem>>) src(%arg4 : memref<1xf32, #tpu.memory_space<hbm>>) dst(%dma_wait3A_39 : memref<1xf32, #tpu.memory_space<vmem>>)
      tpu.yield
    }) : () -> ()
    %lt3A = arith.constant 15 : i32
    %lt3A_8 = arith.cmpi slt, %arg1, %lt3A : i32
    %convert_element_type3A = arith.extui %lt3A_8 : i1 to i32
    %cond3A = arith.constant 0 : i32
    %cond3A_9 = arith.constant 0 : i32
    %cond3A_10 = arith.cmpi ne, %convert_element_type3A, %cond3A_9 : i32
    scf.if %cond3A_10 {
      %mul3A_32 = arith.constant 62528 : i32
      %mul3A_33 = arith.muli %arg1, %mul3A_32 : i32
      %add3A_34 = arith.constant 0 : i32
      %add3A_35 = arith.addi %mul3A_33, %add3A_34 : i32
      "tpu.region"() ({
        %run_scoped3A = tpu.sem_alloc : memref<!tpu.dma_semaphore, #tpu.memory_space<semaphore_mem>>
        %dma_start3A_106 = arith.constant 0 : i32
        %dma_start3A_107 = tpu.memref_slice %arg11[%dma_start3A_106] : memref<15632xf32, #tpu.memory_space<vmem>> -> memref<15632xf32, #tpu.memory_space<vmem>>
        %dma_start3A_108 = arith.constant 0 : i32
        %dma_start3A_109 = tpu.memref_slice %arg3[%cond3A, %dma_start3A_108] : memref<1x1000000xf32, #tpu.memory_space<hbm>> -> memref<1x1000000xf32, #tpu.memory_space<hbm>>
        %dma_start3A_110 = tpu.memref_squeeze %dma_start3A_109 : memref<1x1000000xf32, #tpu.memory_space<hbm>> -> memref<1000000xf32, #tpu.memory_space<hbm>>
        %dma_start3A_111 = tpu.memref_slice %dma_start3A_110[%add3A_35] : memref<1000000xf32, #tpu.memory_space<hbm>> -> memref<15632xf32, #tpu.memory_space<hbm>>
        %dma_start3A_112 = arith.constant 0 : i32
        %dma_start3A_113 = tpu.memref_slice %arg11[%dma_start3A_112] : memref<15632xf32, #tpu.memory_space<vmem>> -> memref<15632xf32, #tpu.memory_space<vmem>>
        %dma_start3A_114 = arith.constant 0 : i32
        %dma_start3A_115 = tpu.memref_slice %arg3[%cond3A, %dma_start3A_114] : memref<1x1000000xf32, #tpu.memory_space<hbm>> -> memref<1x1000000xf32, #tpu.memory_space<hbm>>
        %dma_start3A_116 = tpu.memref_squeeze %dma_start3A_115 : memref<1x1000000xf32, #tpu.memory_space<hbm>> -> memref<1000000xf32, #tpu.memory_space<hbm>>
        %dma_start3A_117 = tpu.memref_slice %dma_start3A_116[%add3A_35] : memref<1000000xf32, #tpu.memory_space<hbm>> -> memref<15632xf32, #tpu.memory_space<hbm>>
        tpu.enqueue_dma source(%dma_start3A_117 : memref<15632xf32, #tpu.memory_space<hbm>>) target(%dma_start3A_113 : memref<15632xf32, #tpu.memory_space<vmem>>) target_semaphore(%run_scoped3A : memref<!tpu.dma_semaphore, #tpu.memory_space<semaphore_mem>>)
        %dma_wait3A_118 = arith.constant 0 : i32
        %dma_wait3A_119 = tpu.memref_slice %arg11[%dma_wait3A_118] : memref<15632xf32, #tpu.memory_space<vmem>> -> memref<15632xf32, #tpu.memory_space<vmem>>
        %dma_wait3A_120 = arith.constant 0 : i32
        %dma_wait3A_121 = tpu.memref_slice %arg3[%cond3A, %dma_wait3A_120] : memref<1x1000000xf32, #tpu.memory_space<hbm>> -> memref<1x1000000xf32, #tpu.memory_space<hbm>>
        %dma_wait3A_122 = tpu.memref_squeeze %dma_wait3A_121 : memref<1x1000000xf32, #tpu.memory_space<hbm>> -> memref<1000000xf32, #tpu.memory_space<hbm>>
        %dma_wait3A_123 = tpu.memref_slice %dma_wait3A_122[%add3A_35] : memref<1000000xf32, #tpu.memory_space<hbm>> -> memref<15632xf32, #tpu.memory_space<hbm>>
        %dma_wait3A_124 = arith.constant 0 : i32
        %dma_wait3A_125 = tpu.memref_slice %arg11[%dma_wait3A_124] : memref<15632xf32, #tpu.memory_space<vmem>> -> memref<15632xf32, #tpu.memory_space<vmem>>
        %dma_wait3A_126 = arith.constant 0 : i32
        %dma_wait3A_127 = tpu.memref_slice %arg3[%cond3A, %dma_wait3A_126] : memref<1x1000000xf32, #tpu.memory_space<hbm>> -> memref<1x1000000xf32, #tpu.memory_space<hbm>>
        %dma_wait3A_128 = tpu.memref_squeeze %dma_wait3A_127 : memref<1x1000000xf32, #tpu.memory_space<hbm>> -> memref<1000000xf32, #tpu.memory_space<hbm>>
        %dma_wait3A_129 = tpu.memref_slice %dma_wait3A_128[%add3A_35] : memref<1000000xf32, #tpu.memory_space<hbm>> -> memref<15632xf32, #tpu.memory_space<hbm>>
        tpu.wait_dma2 semaphore(%run_scoped3A : memref<!tpu.dma_semaphore, #tpu.memory_space<semaphore_mem>>) src(%dma_wait3A_129 : memref<15632xf32, #tpu.memory_space<hbm>>) dst(%dma_wait3A_125 : memref<15632xf32, #tpu.memory_space<vmem>>)
        tpu.yield
      }) : () -> ()
      %add3A_36 = arith.constant 0 : i32
      %add3A_37 = arith.addi %mul3A_33, %add3A_36 : i32
      %dma_start3A_38 = arith.constant 0 : i32
      %dma_start3A_39 = tpu.memref_slice %arg11[%dma_start3A_38] : memref<15632xf32, #tpu.memory_space<vmem>> -> memref<15632xf32, #tpu.memory_space<vmem>>
      %dma_start3A_40 = tpu.memref_slice %arg10[%add3A_37] : memref<1000000xf32, #tpu.memory_space<vmem_shared>> -> memref<15632xf32, #tpu.memory_space<vmem_shared>>
      %dma_start3A_41 = tpu.memref_slice %arg10[%add3A_37] : memref<1000000xf32, #tpu.memory_space<vmem_shared>> -> memref<15632xf32, #tpu.memory_space<vmem_shared>>
      %dma_start3A_42 = arith.constant 0 : i32
      %dma_start3A_43 = tpu.memref_slice %arg11[%dma_start3A_42] : memref<15632xf32, #tpu.memory_space<vmem>> -> memref<15632xf32, #tpu.memory_space<vmem>>
      tpu.enqueue_dma source(%dma_start3A_43 : memref<15632xf32, #tpu.memory_space<vmem>>) target(%dma_start3A_41 : memref<15632xf32, #tpu.memory_space<vmem_shared>>) target_semaphore(%arg15 : memref<!tpu.dma_semaphore, #tpu.memory_space<semaphore_mem>>)
      %add3A_44 = arith.constant 15632 : i32
      %add3A_45 = arith.addi %mul3A_33, %add3A_44 : i32
      "tpu.region"() ({
        %run_scoped3A = tpu.sem_alloc : memref<!tpu.dma_semaphore, #tpu.memory_space<semaphore_mem>>
        %dma_start3A_106 = arith.constant 0 : i32
        %dma_start3A_107 = tpu.memref_slice %arg12[%dma_start3A_106] : memref<15632xf32, #tpu.memory_space<vmem>> -> memref<15632xf32, #tpu.memory_space<vmem>>
        %dma_start3A_108 = arith.constant 0 : i32
        %dma_start3A_109 = tpu.memref_slice %arg3[%cond3A, %dma_start3A_108] : memref<1x1000000xf32, #tpu.memory_space<hbm>> -> memref<1x1000000xf32, #tpu.memory_space<hbm>>
        %dma_start3A_110 = tpu.memref_squeeze %dma_start3A_109 : memref<1x1000000xf32, #tpu.memory_space<hbm>> -> memref<1000000xf32, #tpu.memory_space<hbm>>
        %dma_start3A_111 = tpu.memref_slice %dma_start3A_110[%add3A_45] : memref<1000000xf32, #tpu.memory_space<hbm>> -> memref<15632xf32, #tpu.memory_space<hbm>>
        %dma_start3A_112 = arith.constant 0 : i32
        %dma_start3A_113 = tpu.memref_slice %arg12[%dma_start3A_112] : memref<15632xf32, #tpu.memory_space<vmem>> -> memref<15632xf32, #tpu.memory_space<vmem>>
        %dma_start3A_114 = arith.constant 0 : i32
        %dma_start3A_115 = tpu.memref_slice %arg3[%cond3A, %dma_start3A_114] : memref<1x1000000xf32, #tpu.memory_space<hbm>> -> memref<1x1000000xf32, #tpu.memory_space<hbm>>
        %dma_start3A_116 = tpu.memref_squeeze %dma_start3A_115 : memref<1x1000000xf32, #tpu.memory_space<hbm>> -> memref<1000000xf32, #tpu.memory_space<hbm>>
        %dma_start3A_117 = tpu.memref_slice %dma_start3A_116[%add3A_45] : memref<1000000xf32, #tpu.memory_space<hbm>> -> memref<15632xf32, #tpu.memory_space<hbm>>
        tpu.enqueue_dma source(%dma_start3A_117 : memref<15632xf32, #tpu.memory_space<hbm>>) target(%dma_start3A_113 : memref<15632xf32, #tpu.memory_space<vmem>>) target_semaphore(%run_scoped3A : memref<!tpu.dma_semaphore, #tpu.memory_space<semaphore_mem>>)
        %dma_wait3A_118 = arith.constant 0 : i32
        %dma_wait3A_119 = tpu.memref_slice %arg12[%dma_wait3A_118] : memref<15632xf32, #tpu.memory_space<vmem>> -> memref<15632xf32, #tpu.memory_space<vmem>>
        %dma_wait3A_120 = arith.constant 0 : i32
        %dma_wait3A_121 = tpu.memref_slice %arg3[%cond3A, %dma_wait3A_120] : memref<1x1000000xf32, #tpu.memory_space<hbm>> -> memref<1x1000000xf32, #tpu.memory_space<hbm>>
        %dma_wait3A_122 = tpu.memref_squeeze %dma_wait3A_121 : memref<1x1000000xf32, #tpu.memory_space<hbm>> -> memref<1000000xf32, #tpu.memory_space<hbm>>
        %dma_wait3A_123 = tpu.memref_slice %dma_wait3A_122[%add3A_45] : memref<1000000xf32, #tpu.memory_space<hbm>> -> memref<15632xf32, #tpu.memory_space<hbm>>
        %dma_wait3A_124 = arith.constant 0 : i32
        %dma_wait3A_125 = tpu.memref_slice %arg12[%dma_wait3A_124] : memref<15632xf32, #tpu.memory_space<vmem>> -> memref<15632xf32, #tpu.memory_space<vmem>>
        %dma_wait3A_126 = arith.constant 0 : i32
        %dma_wait3A_127 = tpu.memref_slice %arg3[%cond3A, %dma_wait3A_126] : memref<1x1000000xf32, #tpu.memory_space<hbm>> -> memref<1x1000000xf32, #tpu.memory_space<hbm>>
        %dma_wait3A_128 = tpu.memref_squeeze %dma_wait3A_127 : memref<1x1000000xf32, #tpu.memory_space<hbm>> -> memref<1000000xf32, #tpu.memory_space<hbm>>
        %dma_wait3A_129 = tpu.memref_slice %dma_wait3A_128[%add3A_45] : memref<1000000xf32, #tpu.memory_space<hbm>> -> memref<15632xf32, #tpu.memory_space<hbm>>
        tpu.wait_dma2 semaphore(%run_scoped3A : memref<!tpu.dma_semaphore, #tpu.memory_space<semaphore_mem>>) src(%dma_wait3A_129 : memref<15632xf32, #tpu.memory_space<hbm>>) dst(%dma_wait3A_125 : memref<15632xf32, #tpu.memory_space<vmem>>)
        tpu.yield
      }) : () -> ()
      %add3A_46 = arith.constant 15632 : i32
      %add3A_47 = arith.addi %mul3A_33, %add3A_46 : i32
      %dma_start3A_48 = arith.constant 0 : i32
      %dma_start3A_49 = tpu.memref_slice %arg12[%dma_start3A_48] : memref<15632xf32, #tpu.memory_space<vmem>> -> memref<15632xf32, #tpu.memory_space<vmem>>
      %dma_start3A_50 = tpu.memref_slice %arg10[%add3A_47] : memref<1000000xf32, #tpu.memory_space<vmem_shared>> -> memref<15632xf32, #tpu.memory_space<vmem_shared>>
      %dma_start3A_51 = tpu.memref_slice %arg10[%add3A_47] : memref<1000000xf32, #tpu.memory_space<vmem_shared>> -> memref<15632xf32, #tpu.memory_space<vmem_shared>>
      %dma_start3A_52 = arith.constant 0 : i32
      %dma_start3A_53 = tpu.memref_slice %arg12[%dma_start3A_52] : memref<15632xf32, #tpu.memory_space<vmem>> -> memref<15632xf32, #tpu.memory_space<vmem>>
      tpu.enqueue_dma source(%dma_start3A_53 : memref<15632xf32, #tpu.memory_space<vmem>>) target(%dma_start3A_51 : memref<15632xf32, #tpu.memory_space<vmem_shared>>) target_semaphore(%arg15 : memref<!tpu.dma_semaphore, #tpu.memory_space<semaphore_mem>>)
      %add3A_54 = arith.constant 0 : i32
      %add3A_55 = arith.addi %mul3A_33, %add3A_54 : i32
      %dma_wait3A_56 = arith.constant 0 : i32
      %dma_wait3A_57 = tpu.memref_slice %arg11[%dma_wait3A_56] : memref<15632xf32, #tpu.memory_space<vmem>> -> memref<15632xf32, #tpu.memory_space<vmem>>
      %dma_wait3A_58 = tpu.memref_slice %arg10[%add3A_55] : memref<1000000xf32, #tpu.memory_space<vmem_shared>> -> memref<15632xf32, #tpu.memory_space<vmem_shared>>
      %dma_wait3A_59 = tpu.memref_slice %arg10[%add3A_55] : memref<1000000xf32, #tpu.memory_space<vmem_shared>> -> memref<15632xf32, #tpu.memory_space<vmem_shared>>
      %dma_wait3A_60 = arith.constant 0 : i32
      %dma_wait3A_61 = tpu.memref_slice %arg11[%dma_wait3A_60] : memref<15632xf32, #tpu.memory_space<vmem>> -> memref<15632xf32, #tpu.memory_space<vmem>>
      tpu.wait_dma2 semaphore(%arg15 : memref<!tpu.dma_semaphore, #tpu.memory_space<semaphore_mem>>) src(%dma_wait3A_61 : memref<15632xf32, #tpu.memory_space<vmem>>) dst(%dma_wait3A_59 : memref<15632xf32, #tpu.memory_space<vmem_shared>>)
      %add3A_62 = arith.constant 31264 : i32
      %add3A_63 = arith.addi %mul3A_33, %add3A_62 : i32
      "tpu.region"() ({
        %run_scoped3A = tpu.sem_alloc : memref<!tpu.dma_semaphore, #tpu.memory_space<semaphore_mem>>
        %dma_start3A_106 = arith.constant 0 : i32
        %dma_start3A_107 = tpu.memref_slice %arg11[%dma_start3A_106] : memref<15632xf32, #tpu.memory_space<vmem>> -> memref<15632xf32, #tpu.memory_space<vmem>>
        %dma_start3A_108 = arith.constant 0 : i32
        %dma_start3A_109 = tpu.memref_slice %arg3[%cond3A, %dma_start3A_108] : memref<1x1000000xf32, #tpu.memory_space<hbm>> -> memref<1x1000000xf32, #tpu.memory_space<hbm>>
        %dma_start3A_110 = tpu.memref_squeeze %dma_start3A_109 : memref<1x1000000xf32, #tpu.memory_space<hbm>> -> memref<1000000xf32, #tpu.memory_space<hbm>>
        %dma_start3A_111 = tpu.memref_slice %dma_start3A_110[%add3A_63] : memref<1000000xf32, #tpu.memory_space<hbm>> -> memref<15632xf32, #tpu.memory_space<hbm>>
        %dma_start3A_112 = arith.constant 0 : i32
        %dma_start3A_113 = tpu.memref_slice %arg11[%dma_start3A_112] : memref<15632xf32, #tpu.memory_space<vmem>> -> memref<15632xf32, #tpu.memory_space<vmem>>
        %dma_start3A_114 = arith.constant 0 : i32
        %dma_start3A_115 = tpu.memref_slice %arg3[%cond3A, %dma_start3A_114] : memref<1x1000000xf32, #tpu.memory_space<hbm>> -> memref<1x1000000xf32, #tpu.memory_space<hbm>>
        %dma_start3A_116 = tpu.memref_squeeze %dma_start3A_115 : memref<1x1000000xf32, #tpu.memory_space<hbm>> -> memref<1000000xf32, #tpu.memory_space<hbm>>
        %dma_start3A_117 = tpu.memref_slice %dma_start3A_116[%add3A_63] : memref<1000000xf32, #tpu.memory_space<hbm>> -> memref<15632xf32, #tpu.memory_space<hbm>>
        tpu.enqueue_dma source(%dma_start3A_117 : memref<15632xf32, #tpu.memory_space<hbm>>) target(%dma_start3A_113 : memref<15632xf32, #tpu.memory_space<vmem>>) target_semaphore(%run_scoped3A : memref<!tpu.dma_semaphore, #tpu.memory_space<semaphore_mem>>)
        %dma_wait3A_118 = arith.constant 0 : i32
        %dma_wait3A_119 = tpu.memref_slice %arg11[%dma_wait3A_118] : memref<15632xf32, #tpu.memory_space<vmem>> -> memref<15632xf32, #tpu.memory_space<vmem>>
        %dma_wait3A_120 = arith.constant 0 : i32
        %dma_wait3A_121 = tpu.memref_slice %arg3[%cond3A, %dma_wait3A_120] : memref<1x1000000xf32, #tpu.memory_space<hbm>> -> memref<1x1000000xf32, #tpu.memory_space<hbm>>
        %dma_wait3A_122 = tpu.memref_squeeze %dma_wait3A_121 : memref<1x1000000xf32, #tpu.memory_space<hbm>> -> memref<1000000xf32, #tpu.memory_space<hbm>>
        %dma_wait3A_123 = tpu.memref_slice %dma_wait3A_122[%add3A_63] : memref<1000000xf32, #tpu.memory_space<hbm>> -> memref<15632xf32, #tpu.memory_space<hbm>>
        %dma_wait3A_124 = arith.constant 0 : i32
        %dma_wait3A_125 = tpu.memref_slice %arg11[%dma_wait3A_124] : memref<15632xf32, #tpu.memory_space<vmem>> -> memref<15632xf32, #tpu.memory_space<vmem>>
        %dma_wait3A_126 = arith.constant 0 : i32
        %dma_wait3A_127 = tpu.memref_slice %arg3[%cond3A, %dma_wait3A_126] : memref<1x1000000xf32, #tpu.memory_space<hbm>> -> memref<1x1000000xf32, #tpu.memory_space<hbm>>
        %dma_wait3A_128 = tpu.memref_squeeze %dma_wait3A_127 : memref<1x1000000xf32, #tpu.memory_space<hbm>> -> memref<1000000xf32, #tpu.memory_space<hbm>>
        %dma_wait3A_129 = tpu.memref_slice %dma_wait3A_128[%add3A_63] : memref<1000000xf32, #tpu.memory_space<hbm>> -> memref<15632xf32, #tpu.memory_space<hbm>>
        tpu.wait_dma2 semaphore(%run_scoped3A : memref<!tpu.dma_semaphore, #tpu.memory_space<semaphore_mem>>) src(%dma_wait3A_129 : memref<15632xf32, #tpu.memory_space<hbm>>) dst(%dma_wait3A_125 : memref<15632xf32, #tpu.memory_space<vmem>>)
        tpu.yield
      }) : () -> ()
      %add3A_64 = arith.constant 31264 : i32
      %add3A_65 = arith.addi %mul3A_33, %add3A_64 : i32
      %dma_start3A_66 = arith.constant 0 : i32
      %dma_start3A_67 = tpu.memref_slice %arg11[%dma_start3A_66] : memref<15632xf32, #tpu.memory_space<vmem>> -> memref<15632xf32, #tpu.memory_space<vmem>>
      %dma_start3A_68 = tpu.memref_slice %arg10[%add3A_65] : memref<1000000xf32, #tpu.memory_space<vmem_shared>> -> memref<15632xf32, #tpu.memory_space<vmem_shared>>
      %dma_start3A_69 = tpu.memref_slice %arg10[%add3A_65] : memref<1000000xf32, #tpu.memory_space<vmem_shared>> -> memref<15632xf32, #tpu.memory_space<vmem_shared>>
      %dma_start3A_70 = arith.constant 0 : i32
      %dma_start3A_71 = tpu.memref_slice %arg11[%dma_start3A_70] : memref<15632xf32, #tpu.memory_space<vmem>> -> memref<15632xf32, #tpu.memory_space<vmem>>
      tpu.enqueue_dma source(%dma_start3A_71 : memref<15632xf32, #tpu.memory_space<vmem>>) target(%dma_start3A_69 : memref<15632xf32, #tpu.memory_space<vmem_shared>>) target_semaphore(%arg15 : memref<!tpu.dma_semaphore, #tpu.memory_space<semaphore_mem>>)
      %add3A_72 = arith.constant 15632 : i32
      %add3A_73 = arith.addi %mul3A_33, %add3A_72 : i32
      %dma_wait3A_74 = arith.constant 0 : i32
      %dma_wait3A_75 = tpu.memref_slice %arg12[%dma_wait3A_74] : memref<15632xf32, #tpu.memory_space<vmem>> -> memref<15632xf32, #tpu.memory_space<vmem>>
      %dma_wait3A_76 = tpu.memref_slice %arg10[%add3A_73] : memref<1000000xf32, #tpu.memory_space<vmem_shared>> -> memref<15632xf32, #tpu.memory_space<vmem_shared>>
      %dma_wait3A_77 = tpu.memref_slice %arg10[%add3A_73] : memref<1000000xf32, #tpu.memory_space<vmem_shared>> -> memref<15632xf32, #tpu.memory_space<vmem_shared>>
      %dma_wait3A_78 = arith.constant 0 : i32
      %dma_wait3A_79 = tpu.memref_slice %arg12[%dma_wait3A_78] : memref<15632xf32, #tpu.memory_space<vmem>> -> memref<15632xf32, #tpu.memory_space<vmem>>
      tpu.wait_dma2 semaphore(%arg15 : memref<!tpu.dma_semaphore, #tpu.memory_space<semaphore_mem>>) src(%dma_wait3A_79 : memref<15632xf32, #tpu.memory_space<vmem>>) dst(%dma_wait3A_77 : memref<15632xf32, #tpu.memory_space<vmem_shared>>)
      %add3A_80 = arith.constant 46896 : i32
      %add3A_81 = arith.addi %mul3A_33, %add3A_80 : i32
      "tpu.region"() ({
        %run_scoped3A = tpu.sem_alloc : memref<!tpu.dma_semaphore, #tpu.memory_space<semaphore_mem>>
        %dma_start3A_106 = arith.constant 0 : i32
        %dma_start3A_107 = tpu.memref_slice %arg12[%dma_start3A_106] : memref<15632xf32, #tpu.memory_space<vmem>> -> memref<15632xf32, #tpu.memory_space<vmem>>
        %dma_start3A_108 = arith.constant 0 : i32
        %dma_start3A_109 = tpu.memref_slice %arg3[%cond3A, %dma_start3A_108] : memref<1x1000000xf32, #tpu.memory_space<hbm>> -> memref<1x1000000xf32, #tpu.memory_space<hbm>>
        %dma_start3A_110 = tpu.memref_squeeze %dma_start3A_109 : memref<1x1000000xf32, #tpu.memory_space<hbm>> -> memref<1000000xf32, #tpu.memory_space<hbm>>
        %dma_start3A_111 = tpu.memref_slice %dma_start3A_110[%add3A_81] : memref<1000000xf32, #tpu.memory_space<hbm>> -> memref<15632xf32, #tpu.memory_space<hbm>>
        %dma_start3A_112 = arith.constant 0 : i32
        %dma_start3A_113 = tpu.memref_slice %arg12[%dma_start3A_112] : memref<15632xf32, #tpu.memory_space<vmem>> -> memref<15632xf32, #tpu.memory_space<vmem>>
        %dma_start3A_114 = arith.constant 0 : i32
        %dma_start3A_115 = tpu.memref_slice %arg3[%cond3A, %dma_start3A_114] : memref<1x1000000xf32, #tpu.memory_space<hbm>> -> memref<1x1000000xf32, #tpu.memory_space<hbm>>
        %dma_start3A_116 = tpu.memref_squeeze %dma_start3A_115 : memref<1x1000000xf32, #tpu.memory_space<hbm>> -> memref<1000000xf32, #tpu.memory_space<hbm>>
        %dma_start3A_117 = tpu.memref_slice %dma_start3A_116[%add3A_81] : memref<1000000xf32, #tpu.memory_space<hbm>> -> memref<15632xf32, #tpu.memory_space<hbm>>
        tpu.enqueue_dma source(%dma_start3A_117 : memref<15632xf32, #tpu.memory_space<hbm>>) target(%dma_start3A_113 : memref<15632xf32, #tpu.memory_space<vmem>>) target_semaphore(%run_scoped3A : memref<!tpu.dma_semaphore, #tpu.memory_space<semaphore_mem>>)
        %dma_wait3A_118 = arith.constant 0 : i32
        %dma_wait3A_119 = tpu.memref_slice %arg12[%dma_wait3A_118] : memref<15632xf32, #tpu.memory_space<vmem>> -> memref<15632xf32, #tpu.memory_space<vmem>>
        %dma_wait3A_120 = arith.constant 0 : i32
        %dma_wait3A_121 = tpu.memref_slice %arg3[%cond3A, %dma_wait3A_120] : memref<1x1000000xf32, #tpu.memory_space<hbm>> -> memref<1x1000000xf32, #tpu.memory_space<hbm>>
        %dma_wait3A_122 = tpu.memref_squeeze %dma_wait3A_121 : memref<1x1000000xf32, #tpu.memory_space<hbm>> -> memref<1000000xf32, #tpu.memory_space<hbm>>
        %dma_wait3A_123 = tpu.memref_slice %dma_wait3A_122[%add3A_81] : memref<1000000xf32, #tpu.memory_space<hbm>> -> memref<15632xf32, #tpu.memory_space<hbm>>
        %dma_wait3A_124 = arith.constant 0 : i32
        %dma_wait3A_125 = tpu.memref_slice %arg12[%dma_wait3A_124] : memref<15632xf32, #tpu.memory_space<vmem>> -> memref<15632xf32, #tpu.memory_space<vmem>>
        %dma_wait3A_126 = arith.constant 0 : i32
        %dma_wait3A_127 = tpu.memref_slice %arg3[%cond3A, %dma_wait3A_126] : memref<1x1000000xf32, #tpu.memory_space<hbm>> -> memref<1x1000000xf32, #tpu.memory_space<hbm>>
        %dma_wait3A_128 = tpu.memref_squeeze %dma_wait3A_127 : memref<1x1000000xf32, #tpu.memory_space<hbm>> -> memref<1000000xf32, #tpu.memory_space<hbm>>
        %dma_wait3A_129 = tpu.memref_slice %dma_wait3A_128[%add3A_81] : memref<1000000xf32, #tpu.memory_space<hbm>> -> memref<15632xf32, #tpu.memory_space<hbm>>
        tpu.wait_dma2 semaphore(%run_scoped3A : memref<!tpu.dma_semaphore, #tpu.memory_space<semaphore_mem>>) src(%dma_wait3A_129 : memref<15632xf32, #tpu.memory_space<hbm>>) dst(%dma_wait3A_125 : memref<15632xf32, #tpu.memory_space<vmem>>)
        tpu.yield
      }) : () -> ()
      %add3A_82 = arith.constant 46896 : i32
      %add3A_83 = arith.addi %mul3A_33, %add3A_82 : i32
      %dma_start3A_84 = arith.constant 0 : i32
      %dma_start3A_85 = tpu.memref_slice %arg12[%dma_start3A_84] : memref<15632xf32, #tpu.memory_space<vmem>> -> memref<15632xf32, #tpu.memory_space<vmem>>
      %dma_start3A_86 = tpu.memref_slice %arg10[%add3A_83] : memref<1000000xf32, #tpu.memory_space<vmem_shared>> -> memref<15632xf32, #tpu.memory_space<vmem_shared>>
      %dma_start3A_87 = tpu.memref_slice %arg10[%add3A_83] : memref<1000000xf32, #tpu.memory_space<vmem_shared>> -> memref<15632xf32, #tpu.memory_space<vmem_shared>>
      %dma_start3A_88 = arith.constant 0 : i32
      %dma_start3A_89 = tpu.memref_slice %arg12[%dma_start3A_88] : memref<15632xf32, #tpu.memory_space<vmem>> -> memref<15632xf32, #tpu.memory_space<vmem>>
      tpu.enqueue_dma source(%dma_start3A_89 : memref<15632xf32, #tpu.memory_space<vmem>>) target(%dma_start3A_87 : memref<15632xf32, #tpu.memory_space<vmem_shared>>) target_semaphore(%arg15 : memref<!tpu.dma_semaphore, #tpu.memory_space<semaphore_mem>>)
      %add3A_90 = arith.constant 31264 : i32
      %add3A_91 = arith.addi %mul3A_33, %add3A_90 : i32
      %dma_wait3A_92 = arith.constant 0 : i32
      %dma_wait3A_93 = tpu.memref_slice %arg11[%dma_wait3A_92] : memref<15632xf32, #tpu.memory_space<vmem>> -> memref<15632xf32, #tpu.memory_space<vmem>>
      %dma_wait3A_94 = tpu.memref_slice %arg10[%add3A_91] : memref<1000000xf32, #tpu.memory_space<vmem_shared>> -> memref<15632xf32, #tpu.memory_space<vmem_shared>>
      %dma_wait3A_95 = tpu.memref_slice %arg10[%add3A_91] : memref<1000000xf32, #tpu.memory_space<vmem_shared>> -> memref<15632xf32, #tpu.memory_space<vmem_shared>>
      %dma_wait3A_96 = arith.constant 0 : i32
      %dma_wait3A_97 = tpu.memref_slice %arg11[%dma_wait3A_96] : memref<15632xf32, #tpu.memory_space<vmem>> -> memref<15632xf32, #tpu.memory_space<vmem>>
      tpu.wait_dma2 semaphore(%arg15 : memref<!tpu.dma_semaphore, #tpu.memory_space<semaphore_mem>>) src(%dma_wait3A_97 : memref<15632xf32, #tpu.memory_space<vmem>>) dst(%dma_wait3A_95 : memref<15632xf32, #tpu.memory_space<vmem_shared>>)
      %add3A_98 = arith.constant 46896 : i32
      %add3A_99 = arith.addi %mul3A_33, %add3A_98 : i32
      %dma_wait3A_100 = arith.constant 0 : i32
      %dma_wait3A_101 = tpu.memref_slice %arg12[%dma_wait3A_100] : memref<15632xf32, #tpu.memory_space<vmem>> -> memref<15632xf32, #tpu.memory_space<vmem>>
      %dma_wait3A_102 = tpu.memref_slice %arg10[%add3A_99] : memref<1000000xf32, #tpu.memory_space<vmem_shared>> -> memref<15632xf32, #tpu.memory_space<vmem_shared>>
      %dma_wait3A_103 = tpu.memref_slice %arg10[%add3A_99] : memref<1000000xf32, #tpu.memory_space<vmem_shared>> -> memref<15632xf32, #tpu.memory_space<vmem_shared>>
      %dma_wait3A_104 = arith.constant 0 : i32
      %dma_wait3A_105 = tpu.memref_slice %arg12[%dma_wait3A_104] : memref<15632xf32, #tpu.memory_space<vmem>> -> memref<15632xf32, #tpu.memory_space<vmem>>
      tpu.wait_dma2 semaphore(%arg15 : memref<!tpu.dma_semaphore, #tpu.memory_space<semaphore_mem>>) src(%dma_wait3A_105 : memref<15632xf32, #tpu.memory_space<vmem>>) dst(%dma_wait3A_103 : memref<15632xf32, #tpu.memory_space<vmem_shared>>)
    } else {
    }
    %eq3A = arith.constant 15 : i32
    %eq3A_11 = arith.cmpi eq, %arg1, %eq3A : i32
    %convert_element_type3A_12 = arith.extui %eq3A_11 : i1 to i32
    %cond3A_13 = arith.constant 0 : i32
    %cond3A_14 = arith.constant 0 : i32
    %cond3A_15 = arith.cmpi ne, %convert_element_type3A_12, %cond3A_14 : i32
    scf.if %cond3A_15 {
      "tpu.region"() ({
        %run_scoped3A = tpu.sem_alloc : memref<!tpu.dma_semaphore, #tpu.memory_space<semaphore_mem>>
        %dma_start3A_96 = arith.constant 0 : i32
        %dma_start3A_97 = tpu.memref_slice %arg11[%dma_start3A_96] : memref<15632xf32, #tpu.memory_space<vmem>> -> memref<15520xf32, #tpu.memory_space<vmem>>
        %dma_start3A_98 = arith.constant 0 : i32
        %dma_start3A_99 = tpu.memref_slice %arg3[%cond3A_13, %dma_start3A_98] : memref<1x1000000xf32, #tpu.memory_space<hbm>> -> memref<1x1000000xf32, #tpu.memory_space<hbm>>
        %dma_start3A_100 = tpu.memref_squeeze %dma_start3A_99 : memref<1x1000000xf32, #tpu.memory_space<hbm>> -> memref<1000000xf32, #tpu.memory_space<hbm>>
        %dma_start3A_101 = arith.constant 937920 : i32
        %dma_start3A_102 = tpu.memref_slice %dma_start3A_100[%dma_start3A_101] : memref<1000000xf32, #tpu.memory_space<hbm>> -> memref<15520xf32, #tpu.memory_space<hbm>>
        %dma_start3A_103 = arith.constant 0 : i32
        %dma_start3A_104 = tpu.memref_slice %arg11[%dma_start3A_103] : memref<15632xf32, #tpu.memory_space<vmem>> -> memref<15520xf32, #tpu.memory_space<vmem>>
        %dma_start3A_105 = arith.constant 0 : i32
        %dma_start3A_106 = tpu.memref_slice %arg3[%cond3A_13, %dma_start3A_105] : memref<1x1000000xf32, #tpu.memory_space<hbm>> -> memref<1x1000000xf32, #tpu.memory_space<hbm>>
        %dma_start3A_107 = tpu.memref_squeeze %dma_start3A_106 : memref<1x1000000xf32, #tpu.memory_space<hbm>> -> memref<1000000xf32, #tpu.memory_space<hbm>>
        %dma_start3A_108 = arith.constant 937920 : i32
        %dma_start3A_109 = tpu.memref_slice %dma_start3A_107[%dma_start3A_108] : memref<1000000xf32, #tpu.memory_space<hbm>> -> memref<15520xf32, #tpu.memory_space<hbm>>
        tpu.enqueue_dma source(%dma_start3A_109 : memref<15520xf32, #tpu.memory_space<hbm>>) target(%dma_start3A_104 : memref<15520xf32, #tpu.memory_space<vmem>>) target_semaphore(%run_scoped3A : memref<!tpu.dma_semaphore, #tpu.memory_space<semaphore_mem>>)
        %dma_wait3A_110 = arith.constant 0 : i32
        %dma_wait3A_111 = tpu.memref_slice %arg11[%dma_wait3A_110] : memref<15632xf32, #tpu.memory_space<vmem>> -> memref<15520xf32, #tpu.memory_space<vmem>>
        %dma_wait3A_112 = arith.constant 0 : i32
        %dma_wait3A_113 = tpu.memref_slice %arg3[%cond3A_13, %dma_wait3A_112] : memref<1x1000000xf32, #tpu.memory_space<hbm>> -> memref<1x1000000xf32, #tpu.memory_space<hbm>>
        %dma_wait3A_114 = tpu.memref_squeeze %dma_wait3A_113 : memref<1x1000000xf32, #tpu.memory_space<hbm>> -> memref<1000000xf32, #tpu.memory_space<hbm>>
        %dma_wait3A_115 = arith.constant 937920 : i32
        %dma_wait3A_116 = tpu.memref_slice %dma_wait3A_114[%dma_wait3A_115] : memref<1000000xf32, #tpu.memory_space<hbm>> -> memref<15520xf32, #tpu.memory_space<hbm>>
        %dma_wait3A_117 = arith.constant 0 : i32
        %dma_wait3A_118 = tpu.memref_slice %arg11[%dma_wait3A_117] : memref<15632xf32, #tpu.memory_space<vmem>> -> memref<15520xf32, #tpu.memory_space<vmem>>
        %dma_wait3A_119 = arith.constant 0 : i32
        %dma_wait3A_120 = tpu.memref_slice %arg3[%cond3A_13, %dma_wait3A_119] : memref<1x1000000xf32, #tpu.memory_space<hbm>> -> memref<1x1000000xf32, #tpu.memory_space<hbm>>
        %dma_wait3A_121 = tpu.memref_squeeze %dma_wait3A_120 : memref<1x1000000xf32, #tpu.memory_space<hbm>> -> memref<1000000xf32, #tpu.memory_space<hbm>>
        %dma_wait3A_122 = arith.constant 937920 : i32
        %dma_wait3A_123 = tpu.memref_slice %dma_wait3A_121[%dma_wait3A_122] : memref<1000000xf32, #tpu.memory_space<hbm>> -> memref<15520xf32, #tpu.memory_space<hbm>>
        tpu.wait_dma2 semaphore(%run_scoped3A : memref<!tpu.dma_semaphore, #tpu.memory_space<semaphore_mem>>) src(%dma_wait3A_123 : memref<15520xf32, #tpu.memory_space<hbm>>) dst(%dma_wait3A_118 : memref<15520xf32, #tpu.memory_space<vmem>>)
        tpu.yield
      }) : () -> ()
      %dma_start3A_32 = arith.constant 0 : i32
      %dma_start3A_33 = tpu.memref_slice %arg11[%dma_start3A_32] : memref<15632xf32, #tpu.memory_space<vmem>> -> memref<15520xf32, #tpu.memory_space<vmem>>
      %dma_start3A_34 = arith.constant 937920 : i32
      %dma_start3A_35 = tpu.memref_slice %arg10[%dma_start3A_34] : memref<1000000xf32, #tpu.memory_space<vmem_shared>> -> memref<15520xf32, #tpu.memory_space<vmem_shared>>
      %dma_start3A_36 = arith.constant 937920 : i32
      %dma_start3A_37 = tpu.memref_slice %arg10[%dma_start3A_36] : memref<1000000xf32, #tpu.memory_space<vmem_shared>> -> memref<15520xf32, #tpu.memory_space<vmem_shared>>
      %dma_start3A_38 = arith.constant 0 : i32
      %dma_start3A_39 = tpu.memref_slice %arg11[%dma_start3A_38] : memref<15632xf32, #tpu.memory_space<vmem>> -> memref<15520xf32, #tpu.memory_space<vmem>>
      tpu.enqueue_dma source(%dma_start3A_39 : memref<15520xf32, #tpu.memory_space<vmem>>) target(%dma_start3A_37 : memref<15520xf32, #tpu.memory_space<vmem_shared>>) target_semaphore(%arg15 : memref<!tpu.dma_semaphore, #tpu.memory_space<semaphore_mem>>)
      "tpu.region"() ({
        %run_scoped3A = tpu.sem_alloc : memref<!tpu.dma_semaphore, #tpu.memory_space<semaphore_mem>>
        %dma_start3A_96 = arith.constant 0 : i32
        %dma_start3A_97 = tpu.memref_slice %arg12[%dma_start3A_96] : memref<15632xf32, #tpu.memory_space<vmem>> -> memref<15520xf32, #tpu.memory_space<vmem>>
        %dma_start3A_98 = arith.constant 0 : i32
        %dma_start3A_99 = tpu.memref_slice %arg3[%cond3A_13, %dma_start3A_98] : memref<1x1000000xf32, #tpu.memory_space<hbm>> -> memref<1x1000000xf32, #tpu.memory_space<hbm>>
        %dma_start3A_100 = tpu.memref_squeeze %dma_start3A_99 : memref<1x1000000xf32, #tpu.memory_space<hbm>> -> memref<1000000xf32, #tpu.memory_space<hbm>>
        %dma_start3A_101 = arith.constant 953440 : i32
        %dma_start3A_102 = tpu.memref_slice %dma_start3A_100[%dma_start3A_101] : memref<1000000xf32, #tpu.memory_space<hbm>> -> memref<15520xf32, #tpu.memory_space<hbm>>
        %dma_start3A_103 = arith.constant 0 : i32
        %dma_start3A_104 = tpu.memref_slice %arg12[%dma_start3A_103] : memref<15632xf32, #tpu.memory_space<vmem>> -> memref<15520xf32, #tpu.memory_space<vmem>>
        %dma_start3A_105 = arith.constant 0 : i32
        %dma_start3A_106 = tpu.memref_slice %arg3[%cond3A_13, %dma_start3A_105] : memref<1x1000000xf32, #tpu.memory_space<hbm>> -> memref<1x1000000xf32, #tpu.memory_space<hbm>>
        %dma_start3A_107 = tpu.memref_squeeze %dma_start3A_106 : memref<1x1000000xf32, #tpu.memory_space<hbm>> -> memref<1000000xf32, #tpu.memory_space<hbm>>
        %dma_start3A_108 = arith.constant 953440 : i32
        %dma_start3A_109 = tpu.memref_slice %dma_start3A_107[%dma_start3A_108] : memref<1000000xf32, #tpu.memory_space<hbm>> -> memref<15520xf32, #tpu.memory_space<hbm>>
        tpu.enqueue_dma source(%dma_start3A_109 : memref<15520xf32, #tpu.memory_space<hbm>>) target(%dma_start3A_104 : memref<15520xf32, #tpu.memory_space<vmem>>) target_semaphore(%run_scoped3A : memref<!tpu.dma_semaphore, #tpu.memory_space<semaphore_mem>>)
        %dma_wait3A_110 = arith.constant 0 : i32
        %dma_wait3A_111 = tpu.memref_slice %arg12[%dma_wait3A_110] : memref<15632xf32, #tpu.memory_space<vmem>> -> memref<15520xf32, #tpu.memory_space<vmem>>
        %dma_wait3A_112 = arith.constant 0 : i32
        %dma_wait3A_113 = tpu.memref_slice %arg3[%cond3A_13, %dma_wait3A_112] : memref<1x1000000xf32, #tpu.memory_space<hbm>> -> memref<1x1000000xf32, #tpu.memory_space<hbm>>
        %dma_wait3A_114 = tpu.memref_squeeze %dma_wait3A_113 : memref<1x1000000xf32, #tpu.memory_space<hbm>> -> memref<1000000xf32, #tpu.memory_space<hbm>>
        %dma_wait3A_115 = arith.constant 953440 : i32
        %dma_wait3A_116 = tpu.memref_slice %dma_wait3A_114[%dma_wait3A_115] : memref<1000000xf32, #tpu.memory_space<hbm>> -> memref<15520xf32, #tpu.memory_space<hbm>>
        %dma_wait3A_117 = arith.constant 0 : i32
        %dma_wait3A_118 = tpu.memref_slice %arg12[%dma_wait3A_117] : memref<15632xf32, #tpu.memory_space<vmem>> -> memref<15520xf32, #tpu.memory_space<vmem>>
        %dma_wait3A_119 = arith.constant 0 : i32
        %dma_wait3A_120 = tpu.memref_slice %arg3[%cond3A_13, %dma_wait3A_119] : memref<1x1000000xf32, #tpu.memory_space<hbm>> -> memref<1x1000000xf32, #tpu.memory_space<hbm>>
        %dma_wait3A_121 = tpu.memref_squeeze %dma_wait3A_120 : memref<1x1000000xf32, #tpu.memory_space<hbm>> -> memref<1000000xf32, #tpu.memory_space<hbm>>
        %dma_wait3A_122 = arith.constant 953440 : i32
        %dma_wait3A_123 = tpu.memref_slice %dma_wait3A_121[%dma_wait3A_122] : memref<1000000xf32, #tpu.memory_space<hbm>> -> memref<15520xf32, #tpu.memory_space<hbm>>
        tpu.wait_dma2 semaphore(%run_scoped3A : memref<!tpu.dma_semaphore, #tpu.memory_space<semaphore_mem>>) src(%dma_wait3A_123 : memref<15520xf32, #tpu.memory_space<hbm>>) dst(%dma_wait3A_118 : memref<15520xf32, #tpu.memory_space<vmem>>)
        tpu.yield
      }) : () -> ()
      %dma_start3A_40 = arith.constant 0 : i32
      %dma_start3A_41 = tpu.memref_slice %arg12[%dma_start3A_40] : memref<15632xf32, #tpu.memory_space<vmem>> -> memref<15520xf32, #tpu.memory_space<vmem>>
      %dma_start3A_42 = arith.constant 953440 : i32
      %dma_start3A_43 = tpu.memref_slice %arg10[%dma_start3A_42] : memref<1000000xf32, #tpu.memory_space<vmem_shared>> -> memref<15520xf32, #tpu.memory_space<vmem_shared>>
      %dma_start3A_44 = arith.constant 953440 : i32
      %dma_start3A_45 = tpu.memref_slice %arg10[%dma_start3A_44] : memref<1000000xf32, #tpu.memory_space<vmem_shared>> -> memref<15520xf32, #tpu.memory_space<vmem_shared>>
      %dma_start3A_46 = arith.constant 0 : i32
      %dma_start3A_47 = tpu.memref_slice %arg12[%dma_start3A_46] : memref<15632xf32, #tpu.memory_space<vmem>> -> memref<15520xf32, #tpu.memory_space<vmem>>
      tpu.enqueue_dma source(%dma_start3A_47 : memref<15520xf32, #tpu.memory_space<vmem>>) target(%dma_start3A_45 : memref<15520xf32, #tpu.memory_space<vmem_shared>>) target_semaphore(%arg15 : memref<!tpu.dma_semaphore, #tpu.memory_space<semaphore_mem>>)
      %dma_wait3A_48 = arith.constant 0 : i32
      %dma_wait3A_49 = tpu.memref_slice %arg11[%dma_wait3A_48] : memref<15632xf32, #tpu.memory_space<vmem>> -> memref<15520xf32, #tpu.memory_space<vmem>>
      %dma_wait3A_50 = arith.constant 937920 : i32
      %dma_wait3A_51 = tpu.memref_slice %arg10[%dma_wait3A_50] : memref<1000000xf32, #tpu.memory_space<vmem_shared>> -> memref<15520xf32, #tpu.memory_space<vmem_shared>>
      %dma_wait3A_52 = arith.constant 937920 : i32
      %dma_wait3A_53 = tpu.memref_slice %arg10[%dma_wait3A_52] : memref<1000000xf32, #tpu.memory_space<vmem_shared>> -> memref<15520xf32, #tpu.memory_space<vmem_shared>>
      %dma_wait3A_54 = arith.constant 0 : i32
      %dma_wait3A_55 = tpu.memref_slice %arg11[%dma_wait3A_54] : memref<15632xf32, #tpu.memory_space<vmem>> -> memref<15520xf32, #tpu.memory_space<vmem>>
      tpu.wait_dma2 semaphore(%arg15 : memref<!tpu.dma_semaphore, #tpu.memory_space<semaphore_mem>>) src(%dma_wait3A_55 : memref<15520xf32, #tpu.memory_space<vmem>>) dst(%dma_wait3A_53 : memref<15520xf32, #tpu.memory_space<vmem_shared>>)
      "tpu.region"() ({
        %run_scoped3A = tpu.sem_alloc : memref<!tpu.dma_semaphore, #tpu.memory_space<semaphore_mem>>
        %dma_start3A_96 = arith.constant 0 : i32
        %dma_start3A_97 = tpu.memref_slice %arg11[%dma_start3A_96] : memref<15632xf32, #tpu.memory_space<vmem>> -> memref<15520xf32, #tpu.memory_space<vmem>>
        %dma_start3A_98 = arith.constant 0 : i32
        %dma_start3A_99 = tpu.memref_slice %arg3[%cond3A_13, %dma_start3A_98] : memref<1x1000000xf32, #tpu.memory_space<hbm>> -> memref<1x1000000xf32, #tpu.memory_space<hbm>>
        %dma_start3A_100 = tpu.memref_squeeze %dma_start3A_99 : memref<1x1000000xf32, #tpu.memory_space<hbm>> -> memref<1000000xf32, #tpu.memory_space<hbm>>
        %dma_start3A_101 = arith.constant 968960 : i32
        %dma_start3A_102 = tpu.memref_slice %dma_start3A_100[%dma_start3A_101] : memref<1000000xf32, #tpu.memory_space<hbm>> -> memref<15520xf32, #tpu.memory_space<hbm>>
        %dma_start3A_103 = arith.constant 0 : i32
        %dma_start3A_104 = tpu.memref_slice %arg11[%dma_start3A_103] : memref<15632xf32, #tpu.memory_space<vmem>> -> memref<15520xf32, #tpu.memory_space<vmem>>
        %dma_start3A_105 = arith.constant 0 : i32
        %dma_start3A_106 = tpu.memref_slice %arg3[%cond3A_13, %dma_start3A_105] : memref<1x1000000xf32, #tpu.memory_space<hbm>> -> memref<1x1000000xf32, #tpu.memory_space<hbm>>
        %dma_start3A_107 = tpu.memref_squeeze %dma_start3A_106 : memref<1x1000000xf32, #tpu.memory_space<hbm>> -> memref<1000000xf32, #tpu.memory_space<hbm>>
        %dma_start3A_108 = arith.constant 968960 : i32
        %dma_start3A_109 = tpu.memref_slice %dma_start3A_107[%dma_start3A_108] : memref<1000000xf32, #tpu.memory_space<hbm>> -> memref<15520xf32, #tpu.memory_space<hbm>>
        tpu.enqueue_dma source(%dma_start3A_109 : memref<15520xf32, #tpu.memory_space<hbm>>) target(%dma_start3A_104 : memref<15520xf32, #tpu.memory_space<vmem>>) target_semaphore(%run_scoped3A : memref<!tpu.dma_semaphore, #tpu.memory_space<semaphore_mem>>)
        %dma_wait3A_110 = arith.constant 0 : i32
        %dma_wait3A_111 = tpu.memref_slice %arg11[%dma_wait3A_110] : memref<15632xf32, #tpu.memory_space<vmem>> -> memref<15520xf32, #tpu.memory_space<vmem>>
        %dma_wait3A_112 = arith.constant 0 : i32
        %dma_wait3A_113 = tpu.memref_slice %arg3[%cond3A_13, %dma_wait3A_112] : memref<1x1000000xf32, #tpu.memory_space<hbm>> -> memref<1x1000000xf32, #tpu.memory_space<hbm>>
        %dma_wait3A_114 = tpu.memref_squeeze %dma_wait3A_113 : memref<1x1000000xf32, #tpu.memory_space<hbm>> -> memref<1000000xf32, #tpu.memory_space<hbm>>
        %dma_wait3A_115 = arith.constant 968960 : i32
        %dma_wait3A_116 = tpu.memref_slice %dma_wait3A_114[%dma_wait3A_115] : memref<1000000xf32, #tpu.memory_space<hbm>> -> memref<15520xf32, #tpu.memory_space<hbm>>
        %dma_wait3A_117 = arith.constant 0 : i32
        %dma_wait3A_118 = tpu.memref_slice %arg11[%dma_wait3A_117] : memref<15632xf32, #tpu.memory_space<vmem>> -> memref<15520xf32, #tpu.memory_space<vmem>>
        %dma_wait3A_119 = arith.constant 0 : i32
        %dma_wait3A_120 = tpu.memref_slice %arg3[%cond3A_13, %dma_wait3A_119] : memref<1x1000000xf32, #tpu.memory_space<hbm>> -> memref<1x1000000xf32, #tpu.memory_space<hbm>>
        %dma_wait3A_121 = tpu.memref_squeeze %dma_wait3A_120 : memref<1x1000000xf32, #tpu.memory_space<hbm>> -> memref<1000000xf32, #tpu.memory_space<hbm>>
        %dma_wait3A_122 = arith.constant 968960 : i32
        %dma_wait3A_123 = tpu.memref_slice %dma_wait3A_121[%dma_wait3A_122] : memref<1000000xf32, #tpu.memory_space<hbm>> -> memref<15520xf32, #tpu.memory_space<hbm>>
        tpu.wait_dma2 semaphore(%run_scoped3A : memref<!tpu.dma_semaphore, #tpu.memory_space<semaphore_mem>>) src(%dma_wait3A_123 : memref<15520xf32, #tpu.memory_space<hbm>>) dst(%dma_wait3A_118 : memref<15520xf32, #tpu.memory_space<vmem>>)
        tpu.yield
      }) : () -> ()
      %dma_start3A_56 = arith.constant 0 : i32
      %dma_start3A_57 = tpu.memref_slice %arg11[%dma_start3A_56] : memref<15632xf32, #tpu.memory_space<vmem>> -> memref<15520xf32, #tpu.memory_space<vmem>>
      %dma_start3A_58 = arith.constant 968960 : i32
      %dma_start3A_59 = tpu.memref_slice %arg10[%dma_start3A_58] : memref<1000000xf32, #tpu.memory_space<vmem_shared>> -> memref<15520xf32, #tpu.memory_space<vmem_shared>>
      %dma_start3A_60 = arith.constant 968960 : i32
      %dma_start3A_61 = tpu.memref_slice %arg10[%dma_start3A_60] : memref<1000000xf32, #tpu.memory_space<vmem_shared>> -> memref<15520xf32, #tpu.memory_space<vmem_shared>>
      %dma_start3A_62 = arith.constant 0 : i32
      %dma_start3A_63 = tpu.memref_slice %arg11[%dma_start3A_62] : memref<15632xf32, #tpu.memory_space<vmem>> -> memref<15520xf32, #tpu.memory_space<vmem>>
      tpu.enqueue_dma source(%dma_start3A_63 : memref<15520xf32, #tpu.memory_space<vmem>>) target(%dma_start3A_61 : memref<15520xf32, #tpu.memory_space<vmem_shared>>) target_semaphore(%arg15 : memref<!tpu.dma_semaphore, #tpu.memory_space<semaphore_mem>>)
      %dma_wait3A_64 = arith.constant 0 : i32
      %dma_wait3A_65 = tpu.memref_slice %arg12[%dma_wait3A_64] : memref<15632xf32, #tpu.memory_space<vmem>> -> memref<15520xf32, #tpu.memory_space<vmem>>
      %dma_wait3A_66 = arith.constant 953440 : i32
      %dma_wait3A_67 = tpu.memref_slice %arg10[%dma_wait3A_66] : memref<1000000xf32, #tpu.memory_space<vmem_shared>> -> memref<15520xf32, #tpu.memory_space<vmem_shared>>
      %dma_wait3A_68 = arith.constant 953440 : i32
      %dma_wait3A_69 = tpu.memref_slice %arg10[%dma_wait3A_68] : memref<1000000xf32, #tpu.memory_space<vmem_shared>> -> memref<15520xf32, #tpu.memory_space<vmem_shared>>
      %dma_wait3A_70 = arith.constant 0 : i32
      %dma_wait3A_71 = tpu.memref_slice %arg12[%dma_wait3A_70] : memref<15632xf32, #tpu.memory_space<vmem>> -> memref<15520xf32, #tpu.memory_space<vmem>>
      tpu.wait_dma2 semaphore(%arg15 : memref<!tpu.dma_semaphore, #tpu.memory_space<semaphore_mem>>) src(%dma_wait3A_71 : memref<15520xf32, #tpu.memory_space<vmem>>) dst(%dma_wait3A_69 : memref<15520xf32, #tpu.memory_space<vmem_shared>>)
      "tpu.region"() ({
        %run_scoped3A = tpu.sem_alloc : memref<!tpu.dma_semaphore, #tpu.memory_space<semaphore_mem>>
        %dma_start3A_96 = arith.constant 0 : i32
        %dma_start3A_97 = tpu.memref_slice %arg12[%dma_start3A_96] : memref<15632xf32, #tpu.memory_space<vmem>> -> memref<15520xf32, #tpu.memory_space<vmem>>
        %dma_start3A_98 = arith.constant 0 : i32
        %dma_start3A_99 = tpu.memref_slice %arg3[%cond3A_13, %dma_start3A_98] : memref<1x1000000xf32, #tpu.memory_space<hbm>> -> memref<1x1000000xf32, #tpu.memory_space<hbm>>
        %dma_start3A_100 = tpu.memref_squeeze %dma_start3A_99 : memref<1x1000000xf32, #tpu.memory_space<hbm>> -> memref<1000000xf32, #tpu.memory_space<hbm>>
        %dma_start3A_101 = arith.constant 984480 : i32
        %dma_start3A_102 = tpu.memref_slice %dma_start3A_100[%dma_start3A_101] : memref<1000000xf32, #tpu.memory_space<hbm>> -> memref<15520xf32, #tpu.memory_space<hbm>>
        %dma_start3A_103 = arith.constant 0 : i32
        %dma_start3A_104 = tpu.memref_slice %arg12[%dma_start3A_103] : memref<15632xf32, #tpu.memory_space<vmem>> -> memref<15520xf32, #tpu.memory_space<vmem>>
        %dma_start3A_105 = arith.constant 0 : i32
        %dma_start3A_106 = tpu.memref_slice %arg3[%cond3A_13, %dma_start3A_105] : memref<1x1000000xf32, #tpu.memory_space<hbm>> -> memref<1x1000000xf32, #tpu.memory_space<hbm>>
        %dma_start3A_107 = tpu.memref_squeeze %dma_start3A_106 : memref<1x1000000xf32, #tpu.memory_space<hbm>> -> memref<1000000xf32, #tpu.memory_space<hbm>>
        %dma_start3A_108 = arith.constant 984480 : i32
        %dma_start3A_109 = tpu.memref_slice %dma_start3A_107[%dma_start3A_108] : memref<1000000xf32, #tpu.memory_space<hbm>> -> memref<15520xf32, #tpu.memory_space<hbm>>
        tpu.enqueue_dma source(%dma_start3A_109 : memref<15520xf32, #tpu.memory_space<hbm>>) target(%dma_start3A_104 : memref<15520xf32, #tpu.memory_space<vmem>>) target_semaphore(%run_scoped3A : memref<!tpu.dma_semaphore, #tpu.memory_space<semaphore_mem>>)
        %dma_wait3A_110 = arith.constant 0 : i32
        %dma_wait3A_111 = tpu.memref_slice %arg12[%dma_wait3A_110] : memref<15632xf32, #tpu.memory_space<vmem>> -> memref<15520xf32, #tpu.memory_space<vmem>>
        %dma_wait3A_112 = arith.constant 0 : i32
        %dma_wait3A_113 = tpu.memref_slice %arg3[%cond3A_13, %dma_wait3A_112] : memref<1x1000000xf32, #tpu.memory_space<hbm>> -> memref<1x1000000xf32, #tpu.memory_space<hbm>>
        %dma_wait3A_114 = tpu.memref_squeeze %dma_wait3A_113 : memref<1x1000000xf32, #tpu.memory_space<hbm>> -> memref<1000000xf32, #tpu.memory_space<hbm>>
        %dma_wait3A_115 = arith.constant 984480 : i32
        %dma_wait3A_116 = tpu.memref_slice %dma_wait3A_114[%dma_wait3A_115] : memref<1000000xf32, #tpu.memory_space<hbm>> -> memref<15520xf32, #tpu.memory_space<hbm>>
        %dma_wait3A_117 = arith.constant 0 : i32
        %dma_wait3A_118 = tpu.memref_slice %arg12[%dma_wait3A_117] : memref<15632xf32, #tpu.memory_space<vmem>> -> memref<15520xf32, #tpu.memory_space<vmem>>
        %dma_wait3A_119 = arith.constant 0 : i32
        %dma_wait3A_120 = tpu.memref_slice %arg3[%cond3A_13, %dma_wait3A_119] : memref<1x1000000xf32, #tpu.memory_space<hbm>> -> memref<1x1000000xf32, #tpu.memory_space<hbm>>
        %dma_wait3A_121 = tpu.memref_squeeze %dma_wait3A_120 : memref<1x1000000xf32, #tpu.memory_space<hbm>> -> memref<1000000xf32, #tpu.memory_space<hbm>>
        %dma_wait3A_122 = arith.constant 984480 : i32
        %dma_wait3A_123 = tpu.memref_slice %dma_wait3A_121[%dma_wait3A_122] : memref<1000000xf32, #tpu.memory_space<hbm>> -> memref<15520xf32, #tpu.memory_space<hbm>>
        tpu.wait_dma2 semaphore(%run_scoped3A : memref<!tpu.dma_semaphore, #tpu.memory_space<semaphore_mem>>) src(%dma_wait3A_123 : memref<15520xf32, #tpu.memory_space<hbm>>) dst(%dma_wait3A_118 : memref<15520xf32, #tpu.memory_space<vmem>>)
        tpu.yield
      }) : () -> ()
      %dma_start3A_72 = arith.constant 0 : i32
      %dma_start3A_73 = tpu.memref_slice %arg12[%dma_start3A_72] : memref<15632xf32, #tpu.memory_space<vmem>> -> memref<15520xf32, #tpu.memory_space<vmem>>
      %dma_start3A_74 = arith.constant 984480 : i32
      %dma_start3A_75 = tpu.memref_slice %arg10[%dma_start3A_74] : memref<1000000xf32, #tpu.memory_space<vmem_shared>> -> memref<15520xf32, #tpu.memory_space<vmem_shared>>
      %dma_start3A_76 = arith.constant 984480 : i32
      %dma_start3A_77 = tpu.memref_slice %arg10[%dma_start3A_76] : memref<1000000xf32, #tpu.memory_space<vmem_shared>> -> memref<15520xf32, #tpu.memory_space<vmem_shared>>
      %dma_start3A_78 = arith.constant 0 : i32
      %dma_start3A_79 = tpu.memref_slice %arg12[%dma_start3A_78] : memref<15632xf32, #tpu.memory_space<vmem>> -> memref<15520xf32, #tpu.memory_space<vmem>>
      tpu.enqueue_dma source(%dma_start3A_79 : memref<15520xf32, #tpu.memory_space<vmem>>) target(%dma_start3A_77 : memref<15520xf32, #tpu.memory_space<vmem_shared>>) target_semaphore(%arg15 : memref<!tpu.dma_semaphore, #tpu.memory_space<semaphore_mem>>)
      %dma_wait3A_80 = arith.constant 0 : i32
      %dma_wait3A_81 = tpu.memref_slice %arg11[%dma_wait3A_80] : memref<15632xf32, #tpu.memory_space<vmem>> -> memref<15520xf32, #tpu.memory_space<vmem>>
      %dma_wait3A_82 = arith.constant 968960 : i32
      %dma_wait3A_83 = tpu.memref_slice %arg10[%dma_wait3A_82] : memref<1000000xf32, #tpu.memory_space<vmem_shared>> -> memref<15520xf32, #tpu.memory_space<vmem_shared>>
      %dma_wait3A_84 = arith.constant 968960 : i32
      %dma_wait3A_85 = tpu.memref_slice %arg10[%dma_wait3A_84] : memref<1000000xf32, #tpu.memory_space<vmem_shared>> -> memref<15520xf32, #tpu.memory_space<vmem_shared>>
      %dma_wait3A_86 = arith.constant 0 : i32
      %dma_wait3A_87 = tpu.memref_slice %arg11[%dma_wait3A_86] : memref<15632xf32, #tpu.memory_space<vmem>> -> memref<15520xf32, #tpu.memory_space<vmem>>
      tpu.wait_dma2 semaphore(%arg15 : memref<!tpu.dma_semaphore, #tpu.memory_space<semaphore_mem>>) src(%dma_wait3A_87 : memref<15520xf32, #tpu.memory_space<vmem>>) dst(%dma_wait3A_85 : memref<15520xf32, #tpu.memory_space<vmem_shared>>)
      %dma_wait3A_88 = arith.constant 0 : i32
      %dma_wait3A_89 = tpu.memref_slice %arg12[%dma_wait3A_88] : memref<15632xf32, #tpu.memory_space<vmem>> -> memref<15520xf32, #tpu.memory_space<vmem>>
      %dma_wait3A_90 = arith.constant 984480 : i32
      %dma_wait3A_91 = tpu.memref_slice %arg10[%dma_wait3A_90] : memref<1000000xf32, #tpu.memory_space<vmem_shared>> -> memref<15520xf32, #tpu.memory_space<vmem_shared>>
      %dma_wait3A_92 = arith.constant 984480 : i32
      %dma_wait3A_93 = tpu.memref_slice %arg10[%dma_wait3A_92] : memref<1000000xf32, #tpu.memory_space<vmem_shared>> -> memref<15520xf32, #tpu.memory_space<vmem_shared>>
      %dma_wait3A_94 = arith.constant 0 : i32
      %dma_wait3A_95 = tpu.memref_slice %arg12[%dma_wait3A_94] : memref<15632xf32, #tpu.memory_space<vmem>> -> memref<15520xf32, #tpu.memory_space<vmem>>
      tpu.wait_dma2 semaphore(%arg15 : memref<!tpu.dma_semaphore, #tpu.memory_space<semaphore_mem>>) src(%dma_wait3A_95 : memref<15520xf32, #tpu.memory_space<vmem>>) dst(%dma_wait3A_93 : memref<15520xf32, #tpu.memory_space<vmem_shared>>)
    } else {
    }
    %scan3A_16 = arith.constant 0 : i32
    %scan3A_17 = arith.constant 0 : i32
    %scan3A_18 = arith.constant 26 : i32
    %scan3A_19 = arith.addi %scan3A_17, %scan3A_18 : i32
    %scan3A_20 = arith.constant 1 : i32
    scf.for %scan3A_32 = %scan3A_17 to %scan3A_19 step %scan3A_20  : i32 {
      %mul3A_33 = arith.constant 512 : i32
      %mul3A_34 = arith.muli %scan3A_32, %mul3A_33 : i32
      %dma_wait3A_35 = tpu.memref_slice %arg6[%mul3A_34] : memref<13312xi32, #tpu.memory_space<vmem>> -> memref<512xi32, #tpu.memory_space<vmem>>
      %dma_wait3A_36 = tpu.memref_slice %arg2[%scan3A_32, %mul3A_2] : memref<26x16384xi32, #tpu.memory_space<hbm>> -> memref<1x512xi32, #tpu.memory_space<hbm>>
      %dma_wait3A_37 = tpu.memref_squeeze %dma_wait3A_36 : memref<1x512xi32, #tpu.memory_space<hbm>> -> memref<512xi32, #tpu.memory_space<hbm>>
      %dma_wait3A_38 = tpu.memref_slice %arg6[%mul3A_34] : memref<13312xi32, #tpu.memory_space<vmem>> -> memref<512xi32, #tpu.memory_space<vmem>>
      %dma_wait3A_39 = tpu.memref_slice %arg2[%scan3A_32, %mul3A_2] : memref<26x16384xi32, #tpu.memory_space<hbm>> -> memref<1x512xi32, #tpu.memory_space<hbm>>
      %dma_wait3A_40 = tpu.memref_squeeze %dma_wait3A_39 : memref<1x512xi32, #tpu.memory_space<hbm>> -> memref<512xi32, #tpu.memory_space<hbm>>
      tpu.wait_dma2 semaphore(%arg14 : memref<!tpu.dma_semaphore, #tpu.memory_space<semaphore_mem>>) src(%dma_wait3A_40 : memref<512xi32, #tpu.memory_space<hbm>>) dst(%dma_wait3A_38 : memref<512xi32, #tpu.memory_space<vmem>>)
    }
    %scan3A_21 = arith.constant 26 : i32
    %barrier3A = arith.constant 0 : index
    tpu.barrier barrier_id(%barrier3A)
    %dma_start3A = arith.constant 0 : i32
    %dma_start3A_22 = tpu.memref_slice %arg10[%dma_start3A] : memref<1000000xf32, #tpu.memory_space<vmem_shared>> -> memref<1000000xf32, #tpu.memory_space<vmem_shared>>
    tpu.enqueue_indirect_dma source(%dma_start3A_22 : memref<1000000xf32, #tpu.memory_space<vmem_shared>>) target(%arg7 : memref<13312xf32, #tpu.memory_space<vmem>>) offsets(%arg6 : memref<13312xi32, #tpu.memory_space<vmem>>) semaphore(%arg13 : memref<!tpu.dma_semaphore, #tpu.memory_space<semaphore_mem>>)
    %dma_wait3A = arith.constant 0 : i32
    %dma_wait3A_23 = tpu.memref_slice %arg10[%dma_wait3A] : memref<1000000xf32, #tpu.memory_space<vmem_shared>> -> memref<1000000xf32, #tpu.memory_space<vmem_shared>>
    tpu.wait_indirect_dma semaphore(%arg13 : memref<!tpu.dma_semaphore, #tpu.memory_space<semaphore_mem>>) src(%dma_wait3A_23 : memref<1000000xf32, #tpu.memory_space<vmem_shared>>) dst(%arg7 : memref<13312xf32, #tpu.memory_space<vmem>>)
    %get3A = arith.constant 0 : index
    %get3A_24 = tpu.vector_load %arg8[%get3A] {strides = array<i32>} : memref<16xf32, #tpu.memory_space<vmem>>, vector<16xf32>,
    %get3A_25 = vector.shape_cast %get3A_24 : vector<16xf32> to vector<16xf32>
    %slice3A = vector.extract_strided_slice %get3A_25 {offsets = [0], sizes = [1], strides = [1]} : vector<16xf32> to vector<1xf32>
    %squeeze3A = vector.extract %slice3A[0] : f32 from vector<1xf32>
    %broadcast_in_dim3A = vector.broadcast %squeeze3A : f32 to vector<16xf32>
    %scan3A_26 = arith.constant 0 : i32
    %scan3A_27 = arith.constant 0 : i32
    %scan3A_28 = arith.constant 32 : i32
    %scan3A_29 = arith.addi %scan3A_27, %scan3A_28 : i32
    %scan3A_30 = arith.constant 1 : i32
    scf.for %scan3A_32 = %scan3A_27 to %scan3A_29 step %scan3A_30  : i32 {
      %mul3A_33 = arith.constant 16 : i32
      %mul3A_34 = arith.muli %scan3A_32, %mul3A_33 : i32
      %add3A_35 = arith.constant 0 : i32
      %add3A_36 = arith.addi %add3A_35, %mul3A_34 : i32
      %get3A_37 = arith.index_cast %add3A_36 : i32 to index
      %get3A_38 = tpu.vector_load %arg7[%get3A_37] {strides = array<i32>} : memref<13312xf32, #tpu.memory_space<vmem>>, vector<16xf32>,
      %get3A_39 = vector.shape_cast %get3A_38 : vector<16xf32> to vector<16xf32>
      %add3A_40 = arith.addf %broadcast_in_dim3A, %get3A_39 : vector<16xf32>
      %add3A_41 = arith.constant 512 : i32
      %add3A_42 = arith.addi %add3A_41, %mul3A_34 : i32
      %get3A_43 = arith.index_cast %add3A_42 : i32 to index
      %get3A_44 = tpu.vector_load %arg7[%get3A_43] {strides = array<i32>} : memref<13312xf32, #tpu.memory_space<vmem>>, vector<16xf32>,
      %get3A_45 = vector.shape_cast %get3A_44 : vector<16xf32> to vector<16xf32>
      %add3A_46 = arith.addf %add3A_40, %get3A_45 : vector<16xf32>
      %add3A_47 = arith.constant 1024 : i32
      %add3A_48 = arith.addi %add3A_47, %mul3A_34 : i32
      %get3A_49 = arith.index_cast %add3A_48 : i32 to index
      %get3A_50 = tpu.vector_load %arg7[%get3A_49] {strides = array<i32>} : memref<13312xf32, #tpu.memory_space<vmem>>, vector<16xf32>,
      %get3A_51 = vector.shape_cast %get3A_50 : vector<16xf32> to vector<16xf32>
      %add3A_52 = arith.addf %add3A_46, %get3A_51 : vector<16xf32>
      %add3A_53 = arith.constant 1536 : i32
      %add3A_54 = arith.addi %add3A_53, %mul3A_34 : i32
      %get3A_55 = arith.index_cast %add3A_54 : i32 to index
      %get3A_56 = tpu.vector_load %arg7[%get3A_55] {strides = array<i32>} : memref<13312xf32, #tpu.memory_space<vmem>>, vector<16xf32>,
      %get3A_57 = vector.shape_cast %get3A_56 : vector<16xf32> to vector<16xf32>
      %add3A_58 = arith.addf %add3A_52, %get3A_57 : vector<16xf32>
      %add3A_59 = arith.constant 2048 : i32
      %add3A_60 = arith.addi %add3A_59, %mul3A_34 : i32
      %get3A_61 = arith.index_cast %add3A_60 : i32 to index
      %get3A_62 = tpu.vector_load %arg7[%get3A_61] {strides = array<i32>} : memref<13312xf32, #tpu.memory_space<vmem>>, vector<16xf32>,
      %get3A_63 = vector.shape_cast %get3A_62 : vector<16xf32> to vector<16xf32>
      %add3A_64 = arith.addf %add3A_58, %get3A_63 : vector<16xf32>
      %add3A_65 = arith.constant 2560 : i32
      %add3A_66 = arith.addi %add3A_65, %mul3A_34 : i32
      %get3A_67 = arith.index_cast %add3A_66 : i32 to index
      %get3A_68 = tpu.vector_load %arg7[%get3A_67] {strides = array<i32>} : memref<13312xf32, #tpu.memory_space<vmem>>, vector<16xf32>,
      %get3A_69 = vector.shape_cast %get3A_68 : vector<16xf32> to vector<16xf32>
      %add3A_70 = arith.addf %add3A_64, %get3A_69 : vector<16xf32>
      %add3A_71 = arith.constant 3072 : i32
      %add3A_72 = arith.addi %add3A_71, %mul3A_34 : i32
      %get3A_73 = arith.index_cast %add3A_72 : i32 to index
      %get3A_74 = tpu.vector_load %arg7[%get3A_73] {strides = array<i32>} : memref<13312xf32, #tpu.memory_space<vmem>>, vector<16xf32>,
      %get3A_75 = vector.shape_cast %get3A_74 : vector<16xf32> to vector<16xf32>
      %add3A_76 = arith.addf %add3A_70, %get3A_75 : vector<16xf32>
      %add3A_77 = arith.constant 3584 : i32
      %add3A_78 = arith.addi %add3A_77, %mul3A_34 : i32
      %get3A_79 = arith.index_cast %add3A_78 : i32 to index
      %get3A_80 = tpu.vector_load %arg7[%get3A_79] {strides = array<i32>} : memref<13312xf32, #tpu.memory_space<vmem>>, vector<16xf32>,
      %get3A_81 = vector.shape_cast %get3A_80 : vector<16xf32> to vector<16xf32>
      %add3A_82 = arith.addf %add3A_76, %get3A_81 : vector<16xf32>
      %add3A_83 = arith.constant 4096 : i32
      %add3A_84 = arith.addi %add3A_83, %mul3A_34 : i32
      %get3A_85 = arith.index_cast %add3A_84 : i32 to index
      %get3A_86 = tpu.vector_load %arg7[%get3A_85] {strides = array<i32>} : memref<13312xf32, #tpu.memory_space<vmem>>, vector<16xf32>,
      %get3A_87 = vector.shape_cast %get3A_86 : vector<16xf32> to vector<16xf32>
      %add3A_88 = arith.addf %add3A_82, %get3A_87 : vector<16xf32>
      %add3A_89 = arith.constant 4608 : i32
      %add3A_90 = arith.addi %add3A_89, %mul3A_34 : i32
      %get3A_91 = arith.index_cast %add3A_90 : i32 to index
      %get3A_92 = tpu.vector_load %arg7[%get3A_91] {strides = array<i32>} : memref<13312xf32, #tpu.memory_space<vmem>>, vector<16xf32>,
      %get3A_93 = vector.shape_cast %get3A_92 : vector<16xf32> to vector<16xf32>
      %add3A_94 = arith.addf %add3A_88, %get3A_93 : vector<16xf32>
      %add3A_95 = arith.constant 5120 : i32
      %add3A_96 = arith.addi %add3A_95, %mul3A_34 : i32
      %get3A_97 = arith.index_cast %add3A_96 : i32 to index
      %get3A_98 = tpu.vector_load %arg7[%get3A_97] {strides = array<i32>} : memref<13312xf32, #tpu.memory_space<vmem>>, vector<16xf32>,
      %get3A_99 = vector.shape_cast %get3A_98 : vector<16xf32> to vector<16xf32>
      %add3A_100 = arith.addf %add3A_94, %get3A_99 : vector<16xf32>
      %add3A_101 = arith.constant 5632 : i32
      %add3A_102 = arith.addi %add3A_101, %mul3A_34 : i32
      %get3A_103 = arith.index_cast %add3A_102 : i32 to index
      %get3A_104 = tpu.vector_load %arg7[%get3A_103] {strides = array<i32>} : memref<13312xf32, #tpu.memory_space<vmem>>, vector<16xf32>,
      %get3A_105 = vector.shape_cast %get3A_104 : vector<16xf32> to vector<16xf32>
      %add3A_106 = arith.addf %add3A_100, %get3A_105 : vector<16xf32>
      %add3A_107 = arith.constant 6144 : i32
      %add3A_108 = arith.addi %add3A_107, %mul3A_34 : i32
      %get3A_109 = arith.index_cast %add3A_108 : i32 to index
      %get3A_110 = tpu.vector_load %arg7[%get3A_109] {strides = array<i32>} : memref<13312xf32, #tpu.memory_space<vmem>>, vector<16xf32>,
      %get3A_111 = vector.shape_cast %get3A_110 : vector<16xf32> to vector<16xf32>
      %add3A_112 = arith.addf %add3A_106, %get3A_111 : vector<16xf32>
      %add3A_113 = arith.constant 6656 : i32
      %add3A_114 = arith.addi %add3A_113, %mul3A_34 : i32
      %get3A_115 = arith.index_cast %add3A_114 : i32 to index
      %get3A_116 = tpu.vector_load %arg7[%get3A_115] {strides = array<i32>} : memref<13312xf32, #tpu.memory_space<vmem>>, vector<16xf32>,
      %get3A_117 = vector.shape_cast %get3A_116 : vector<16xf32> to vector<16xf32>
      %add3A_118 = arith.addf %add3A_112, %get3A_117 : vector<16xf32>
      %add3A_119 = arith.constant 7168 : i32
      %add3A_120 = arith.addi %add3A_119, %mul3A_34 : i32
      %get3A_121 = arith.index_cast %add3A_120 : i32 to index
      %get3A_122 = tpu.vector_load %arg7[%get3A_121] {strides = array<i32>} : memref<13312xf32, #tpu.memory_space<vmem>>, vector<16xf32>,
      %get3A_123 = vector.shape_cast %get3A_122 : vector<16xf32> to vector<16xf32>
      %add3A_124 = arith.addf %add3A_118, %get3A_123 : vector<16xf32>
      %add3A_125 = arith.constant 7680 : i32
      %add3A_126 = arith.addi %add3A_125, %mul3A_34 : i32
      %get3A_127 = arith.index_cast %add3A_126 : i32 to index
      %get3A_128 = tpu.vector_load %arg7[%get3A_127] {strides = array<i32>} : memref<13312xf32, #tpu.memory_space<vmem>>, vector<16xf32>,
      %get3A_129 = vector.shape_cast %get3A_128 : vector<16xf32> to vector<16xf32>
      %add3A_130 = arith.addf %add3A_124, %get3A_129 : vector<16xf32>
      %add3A_131 = arith.constant 8192 : i32
      %add3A_132 = arith.addi %add3A_131, %mul3A_34 : i32
      %get3A_133 = arith.index_cast %add3A_132 : i32 to index
      %get3A_134 = tpu.vector_load %arg7[%get3A_133] {strides = array<i32>} : memref<13312xf32, #tpu.memory_space<vmem>>, vector<16xf32>,
      %get3A_135 = vector.shape_cast %get3A_134 : vector<16xf32> to vector<16xf32>
      %add3A_136 = arith.addf %add3A_130, %get3A_135 : vector<16xf32>
      %add3A_137 = arith.constant 8704 : i32
      %add3A_138 = arith.addi %add3A_137, %mul3A_34 : i32
      %get3A_139 = arith.index_cast %add3A_138 : i32 to index
      %get3A_140 = tpu.vector_load %arg7[%get3A_139] {strides = array<i32>} : memref<13312xf32, #tpu.memory_space<vmem>>, vector<16xf32>,
      %get3A_141 = vector.shape_cast %get3A_140 : vector<16xf32> to vector<16xf32>
      %add3A_142 = arith.addf %add3A_136, %get3A_141 : vector<16xf32>
      %add3A_143 = arith.constant 9216 : i32
      %add3A_144 = arith.addi %add3A_143, %mul3A_34 : i32
      %get3A_145 = arith.index_cast %add3A_144 : i32 to index
      %get3A_146 = tpu.vector_load %arg7[%get3A_145] {strides = array<i32>} : memref<13312xf32, #tpu.memory_space<vmem>>, vector<16xf32>,
      %get3A_147 = vector.shape_cast %get3A_146 : vector<16xf32> to vector<16xf32>
      %add3A_148 = arith.addf %add3A_142, %get3A_147 : vector<16xf32>
      %add3A_149 = arith.constant 9728 : i32
      %add3A_150 = arith.addi %add3A_149, %mul3A_34 : i32
      %get3A_151 = arith.index_cast %add3A_150 : i32 to index
      %get3A_152 = tpu.vector_load %arg7[%get3A_151] {strides = array<i32>} : memref<13312xf32, #tpu.memory_space<vmem>>, vector<16xf32>,
      %get3A_153 = vector.shape_cast %get3A_152 : vector<16xf32> to vector<16xf32>
      %add3A_154 = arith.addf %add3A_148, %get3A_153 : vector<16xf32>
      %add3A_155 = arith.constant 10240 : i32
      %add3A_156 = arith.addi %add3A_155, %mul3A_34 : i32
      %get3A_157 = arith.index_cast %add3A_156 : i32 to index
      %get3A_158 = tpu.vector_load %arg7[%get3A_157] {strides = array<i32>} : memref<13312xf32, #tpu.memory_space<vmem>>, vector<16xf32>,
      %get3A_159 = vector.shape_cast %get3A_158 : vector<16xf32> to vector<16xf32>
      %add3A_160 = arith.addf %add3A_154, %get3A_159 : vector<16xf32>
      %add3A_161 = arith.constant 10752 : i32
      %add3A_162 = arith.addi %add3A_161, %mul3A_34 : i32
      %get3A_163 = arith.index_cast %add3A_162 : i32 to index
      %get3A_164 = tpu.vector_load %arg7[%get3A_163] {strides = array<i32>} : memref<13312xf32, #tpu.memory_space<vmem>>, vector<16xf32>,
      %get3A_165 = vector.shape_cast %get3A_164 : vector<16xf32> to vector<16xf32>
      %add3A_166 = arith.addf %add3A_160, %get3A_165 : vector<16xf32>
      %add3A_167 = arith.constant 11264 : i32
      %add3A_168 = arith.addi %add3A_167, %mul3A_34 : i32
      %get3A_169 = arith.index_cast %add3A_168 : i32 to index
      %get3A_170 = tpu.vector_load %arg7[%get3A_169] {strides = array<i32>} : memref<13312xf32, #tpu.memory_space<vmem>>, vector<16xf32>,
      %get3A_171 = vector.shape_cast %get3A_170 : vector<16xf32> to vector<16xf32>
      %add3A_172 = arith.addf %add3A_166, %get3A_171 : vector<16xf32>
      %add3A_173 = arith.constant 11776 : i32
      %add3A_174 = arith.addi %add3A_173, %mul3A_34 : i32
      %get3A_175 = arith.index_cast %add3A_174 : i32 to index
      %get3A_176 = tpu.vector_load %arg7[%get3A_175] {strides = array<i32>} : memref<13312xf32, #tpu.memory_space<vmem>>, vector<16xf32>,
      %get3A_177 = vector.shape_cast %get3A_176 : vector<16xf32> to vector<16xf32>
      %add3A_178 = arith.addf %add3A_172, %get3A_177 : vector<16xf32>
      %add3A_179 = arith.constant 12288 : i32
      %add3A_180 = arith.addi %add3A_179, %mul3A_34 : i32
      %get3A_181 = arith.index_cast %add3A_180 : i32 to index
      %get3A_182 = tpu.vector_load %arg7[%get3A_181] {strides = array<i32>} : memref<13312xf32, #tpu.memory_space<vmem>>, vector<16xf32>,
      %get3A_183 = vector.shape_cast %get3A_182 : vector<16xf32> to vector<16xf32>
      %add3A_184 = arith.addf %add3A_178, %get3A_183 : vector<16xf32>
      %add3A_185 = arith.constant 12800 : i32
      %add3A_186 = arith.addi %add3A_185, %mul3A_34 : i32
      %get3A_187 = arith.index_cast %add3A_186 : i32 to index
      %get3A_188 = tpu.vector_load %arg7[%get3A_187] {strides = array<i32>} : memref<13312xf32, #tpu.memory_space<vmem>>, vector<16xf32>,
      %get3A_189 = vector.shape_cast %get3A_188 : vector<16xf32> to vector<16xf32>
      %add3A_190 = arith.addf %add3A_184, %get3A_189 : vector<16xf32>
      %swap3A = arith.index_cast %mul3A_34 : i32 to index
      %swap3A_191 = tpu.vector_load %arg9[%swap3A] {strides = array<i32>} : memref<512xf32, #tpu.memory_space<vmem>>, vector<16xf32>,
      %swap3A_192 = vector.shape_cast %swap3A_191 : vector<16xf32> to vector<16xf32>
      %swap3A_193 = vector.shape_cast %add3A_190 : vector<16xf32> to vector<16xf32>
      tpu.vector_store %arg9[%swap3A], %swap3A_193 {strides = array<i32>} : memref<512xf32, #tpu.memory_space<vmem>>, vector<16xf32>,
    }
    %scan3A_31 = arith.constant 32 : i32
    "tpu.region"() ({
      %run_scoped3A = tpu.sem_alloc : memref<!tpu.dma_semaphore, #tpu.memory_space<semaphore_mem>>
      %dma_start3A_32 = tpu.memref_slice %arg5[%mul3A_2] : memref<16384xf32, #tpu.memory_space<hbm>> -> memref<512xf32, #tpu.memory_space<hbm>>
      %dma_start3A_33 = tpu.memref_slice %arg5[%mul3A_2] : memref<16384xf32, #tpu.memory_space<hbm>> -> memref<512xf32, #tpu.memory_space<hbm>>
      tpu.enqueue_dma source(%arg9 : memref<512xf32, #tpu.memory_space<vmem>>) target(%dma_start3A_33 : memref<512xf32, #tpu.memory_space<hbm>>) target_semaphore(%run_scoped3A : memref<!tpu.dma_semaphore, #tpu.memory_space<semaphore_mem>>)
      %dma_wait3A_34 = tpu.memref_slice %arg5[%mul3A_2] : memref<16384xf32, #tpu.memory_space<hbm>> -> memref<512xf32, #tpu.memory_space<hbm>>
      %dma_wait3A_35 = tpu.memref_slice %arg5[%mul3A_2] : memref<16384xf32, #tpu.memory_space<hbm>> -> memref<512xf32, #tpu.memory_space<hbm>>
      tpu.wait_dma2 semaphore(%run_scoped3A : memref<!tpu.dma_semaphore, #tpu.memory_space<semaphore_mem>>) src(%arg9 : memref<512xf32, #tpu.memory_space<vmem>>) dst(%dma_wait3A_35 : memref<512xf32, #tpu.memory_space<hbm>>)
      tpu.yield
    }) : () -> ()
    return
  }
}

</mosaic_0001>

<sc_bundles>
// kernel: kernel.3.cloned.1.call-start
scs
__scs_entry_jumppad:
0x0: {  	(pc) =	sbr.rel $0x88, $3  }
0x1: {  	(tag) =	ssettag $0x0;
	lr =	simm.s32 $0x1  }
0x2: {  	[smem:$0x3F9E] =	sst lr;
	_ =	strace $0xD0000000  }
0x3: {  	_ = 	snop  }
0x4: {  	_ = 	snop  }
0x5: {  	_ = 	snop  }
0x6: {  	_ = 	snop  }
0x7: {  	_ = 	snop  }
__scs_overlays_trampoline_lowered:
0x8: {  	[smem:$0x3FAD] =	sst s0  }
0x9: {  	[smem:$0x3FAE] =	sst s1  }
0xa: {  	[smem:$0x3FAF] =	sst s2  }
0xb: {  	[smem:$0x3FB0] =	sst s3  }
0xc: {  	[smem:$0x3FB1] =	sst s4  }
0xd: {  	[smem:$0x3FB2] =	sst s5  }
0xe: {  	[smem:$0x3FB3] =	sst s6  }
0xf: {  	[smem:$0x3FB4] =	sst s7  }
0x10: {  	[smem:$0x3FB5] =	sst s8  }
0x11: {  	[smem:$0x3FB6] =	sst s9;
	s0 =	simm.s32 @!p0 $0x0  }
0x12: {  	s1 =	sld [smem:$0x3F9C];
	s0 =	simm.s32 @p0 $0x1  }
0x13: {  	[smem:$0x3FB7] =	sst s0;
	s0 =	simm.s32 @!p1 $0x0  }
0x14: {  	s2 =	sld [smem:$0x3F9B];
	s0 =	simm.s32 @p1 $0x1  }
0x15: {  	[smem:$0x3FB8] =	sst s0;
	s0 =	simm.s32 @!p2 $0x0  }
0x16: {  	s3 =	sld [smem:$0x3FDB];
	s0 =	simm.s32 @p2 $0x1  }
0x17: {  	s4 =	simm.s32 $0x1BF5;
	[smem:$0x3FBA] =	sst s0  }
0x18: {  	s0 =	sld [smem:$0x3F9D];
	_ =	swait.ge [sflag:s4], $0x0  }
0x19: {  	s7 =	sld [smem:$0x3F9E]  }
0x1a: {  	s8 =	sadd.s32 $0xFFFFE003, lr  }
0x1b: {  	s9 =	sadd.s32 $0xFFFFFEF7, lr;
	s5 =	simm.s32 $0xFFFFFFFF;
	p2 =	slt.u32 s8, $0xFFFFF086  }
0x1c: {  	p1 =	slt.u32 s9, $0xF7A;
	s5 =	simm.s32 @!p2 $0x0  }
0x1d: {  	s5 =	simm.s32 @p1 $0x1;
	p0 =	seq.s32 s7, s2  }
0x1e: {  	s7 =	smul.u32 @!p0 $0xF7A, s2;
	p2 =	seq.s32 @!p0 s5, $0x0  }
0x1f: {  	s9 =	smul.u32 $0xF7A, s1;
	s8 =	simm.s32 @!p0 $0x1BF5;
	p2 =	por !p2, p0  }
0x20: {  	[sflag:s8] =	ssyncset.s32 @!p0 $0xFFFFF086;
	s6 =	sadd.s32 @!p0 s3, s7;
	s7 =	simm.s32 @!p0 $0x108  }
0x21: {  	s3 =	sadd.s32 s3, s9;
	s6 =	sadd.s32 @!p0 $0x88, s6;
	s7 =	simm.s32 @p2 $0x1082  }
0x22: {  	[simem:s7], [sflag:s8] =	dma.local @!p0 [hbm:s6], $0xF7A  }
0x23: {  	s9 =	sor.u32 $0xD0000000, s2;
	s6 =	simm.s32 $0x108;
	_ =	swait.ge @!p0 [sflag:s8], $0x0  }
0x24: {  	s3 =	sadd.s32 $0x88, s3;
	s6 =	simm.s32 @!p1 $0x1082;
	[sflag:s4] =	ssyncset.s32 $0xFFFFF086  }
0x25: {  	[simem:s6], [sflag:s4] =	dma.local [hbm:s3], $0xF7A  }
0x26: {  	[smem:$0x3F9E] =	sst s1;
	(tag) =	ssettag s2;
	_ =	strace s9  }
0x27: {  	s1 =	sld [smem:$0x3FAE]  }
0x28: {  	s2 =	sld [smem:$0x3FAF]  }
0x29: {  	s4 =	sld [smem:$0x3FB1]  }
0x2a: {  	p0 =	seq.s32 s5, $0x0;
	s5 =	sld [smem:$0x3FB2]  }
0x2b: {  	s6 =	sld [smem:$0x3FB3]  }
0x2c: {  	s7 =	sld [smem:$0x3FB4]  }
0x2d: {  	s3 =	simm.s32 $0x108;
	s8 =	sld [smem:$0x3FB5]  }
0x2e: {  	s3 =	simm.s32 @!p0 $0x1082;
	s9 =	sld [smem:$0x3FB6]  }
0x2f: {  	lr =	sadd.s32 s0, s3;
	s0 =	sld [smem:$0x3FAD]  }
0x30: {  	s3 =	sld [smem:$0x3FB0]  }
0x31: {  	[smem:$0x3FB9] =	sst s10  }
0x32: {  	s10 =	sld [smem:$0x3FB7];
	_ =	sdelay $0x3  }
0x33: {  	p0 =	seq.s32 s10, $0x1;
	s10 =	sld [smem:$0x3FB9];
	_ =	sdelay $0x3  }
0x34: {  	[smem:$0x3FB9] =	sst s10  }
0x35: {  	s10 =	sld [smem:$0x3FB8];
	_ =	sdelay $0x3  }
0x36: {  	p1 =	seq.s32 s10, $0x1;
	s10 =	sld [smem:$0x3FB9];
	_ =	sdelay $0x3  }
0x37: {  	[smem:$0x3FB9] =	sst s10  }
0x38: {  	s10 =	sld [smem:$0x3FBA]  }
0x39: {  	_ = 	snop;
	(pc) =	sbr.ind lr, $3  }
0x3a: {  	_ = 	snop  }
0x3b: {  	_ = 	snop  }
0x3c: {  	p2 =	seq.s32 s10, $0x1;
	s10 =	sld [smem:$0x3FB9]  }
0x3d: {  	_ =	shalt  }
0x3e: {  	_ =	shalt  }
0x3f: {  	_ =	shalt  }
0x40: {  	_ =	shalt  }
0x41: {  	_ =	shalt  }
0x42: {  	_ =	shalt  }
0x43: {  	_ =	shalt  }
0x44: {  	_ =	shalt  }
0x45: {  	_ =	shalt  }
0x46: {  	_ =	shalt  }
0x47: {  	_ =	shalt  }
0x48: {  	_ =	shalt  }
0x49: {  	_ =	shalt  }
0x4a: {  	_ =	shalt  }
0x4b: {  	_ =	shalt  }
0x4c: {  	_ =	shalt  }
0x4d: {  	_ =	shalt  }
0x4e: {  	_ =	shalt  }
0x4f: {  	_ =	shalt  }
0x50: {  	_ =	shalt  }
0x51: {  	_ =	shalt  }
0x52: {  	_ =	shalt  }
0x53: {  	_ =	shalt  }
0x54: {  	_ =	shalt  }
0x55: {  	_ =	shalt  }
0x56: {  	_ =	shalt  }
0x57: {  	_ =	shalt  }
0x58: {  	_ =	shalt  }
0x59: {  	_ =	shalt  }
0x5a: {  	_ =	shalt  }
0x5b: {  	_ =	shalt  }
0x5c: {  	_ =	shalt  }
0x5d: {  	_ =	shalt  }
0x5e: {  	_ =	shalt  }
0x5f: {  	_ =	shalt  }
0x60: {  	_ =	shalt  }
0x61: {  	_ =	shalt  }
0x62: {  	_ =	shalt  }
0x63: {  	_ =	shalt  }
0x64: {  	_ =	shalt  }
0x65: {  	_ =	shalt  }
0x66: {  	_ =	shalt  }
0x67: {  	_ =	shalt  }
0x68: {  	_ =	shalt  }
0x69: {  	_ =	shalt  }
0x6a: {  	_ =	shalt  }
0x6b: {  	_ =	shalt  }
0x6c: {  	_ =	shalt  }
0x6d: {  	_ =	shalt  }
0x6e: {  	_ =	shalt  }
0x6f: {  	_ =	shalt  }
0x70: {  	_ =	shalt  }
0x71: {  	_ =	shalt  }
0x72: {  	_ =	shalt  }
0x73: {  	_ =	shalt  }
0x74: {  	_ =	shalt  }
0x75: {  	_ =	shalt  }
0x76: {  	_ =	shalt  }
0x77: {  	_ =	shalt  }
0x78: {  	_ =	shalt  }
0x79: {  	_ =	shalt  }
0x7a: {  	_ =	shalt  }
0x7b: {  	_ =	shalt  }
0x7c: {  	_ =	shalt  }
0x7d: {  	_ =	shalt  }
0x7e: {  	_ =	shalt  }
0x7f: {  	_ =	shalt  }
0x80: {  	_ =	shalt  }
0x81: {  	_ =	shalt  }
0x82: {  	_ =	shalt  }
0x83: {  	_ =	shalt  }
0x84: {  	_ =	shalt  }
0x85: {  	_ =	shalt  }
0x86: {  	_ =	shalt  }
0x87: {  	_ =	shalt  }
.Lfunc_end0:
.L_simem_size_0:
called_computation_lowered:
.L_overlay_start_0:
0x88: {  	s2 =	sld [smem:$0x3FD9]  }
0x89: {  	s3 =	sld [smem:$0x3FFE];
	_ =	sdelay $0x1  }
0x8a: {  	s1 =	srdreg.scid  }
0x8b: {  	s0 =	sand.u32 $0x1, s1  }
0x8c: {  	s18 =	sshll.u32 s0, $0xA;
	s2 =	sadd.s32 s3, s2  }
0x8d: {  	s2 =	sadd.s32 s2, s18  }
0x8e: {  	[smem:$0x3FC5] =	sst s2  }
0x8f: {  	_ = 	snop  }
0x90: {  	s2 =	sld [smem:$0x3FC9]  }
0x91: {  	s19 =	sld [smem:$0x3FC8]  }
0x92: {  	s4 =	sld [smem:$0x3FC7]  }
0x93: {  	s5 =	sld [smem:$0x3FD0];
	(tm) =	ssettm $0x1  }
0x94: {  	s6 =	sld [smem:$0x3FFB];
	_ =	sdelay $0x3  }
0x95: {  	_ =	strace s6  }
0x96: {  	s6 =	sld [smem:$0x3FFC];
	_ =	sdelay $0x3  }
0x97: {  	_ =	strace s6  }
0x98: {  	s6 =	sld [smem:$0x3FFD];
	_ =	sdelay $0x3  }
0x99: {  	_ =	strace s6  }
0x9a: {  	_ =	strace $0x8FFFFFFF  }
0x9b: {  	s20 =	sld [smem:$0x3FDB];
	_ =	sdelay $0x1  }
0x9c: {  	s7 =	simm.s32 $_scs_section_size  }
0x9d: {  	s8 =	simm.s32 $_size__tile_overlayer_lowered;
	s9 =	simm.s32 $_tile_overlayer_lowered  }
0x9e: {  	s23 =	simm.s32 $0x1BFF;
	s22 =	sshll.u32 s9, $0x1;
	s6 =	sadd.s32 s7, s20  }
0x9f: {  	s10 =	simm.s32 $0x0;
	s21 =	sshll.u32 s8, $0x1;
	s8 =	sadd.s32 s22, s6  }
0xa0: {  	[timem:s10], [sflag:s23] =	dma.local [hbm:s8], s21  }
0xa1: {  	_ =	swait.ge [sflag:s23], s21  }
0xa2: {  	s7 =	ssub.s32 $0x0, s21;
	[sflag:s23] =	ssyncset.done $0x0  }
0xa3: {  	[sflag:s23] =	ssyncadd.s32 s7;
	_ =	sdelay $0x1  }
0xa4: {  	s24 =	simm.s32 $0x1B8B  }
0xa5: {  	_ =	swait.ge [sflag:s24], $0x1  }
0xa6: {  	[sflag:s24] =	ssyncset.done $0x0  }
0xa7: {  	s25 =	simm.s32 $0x1B8E;
	[sflag:s24] =	ssyncadd.s32 $0xFFFFFFFF  }
0xa8: {  	s26 =	simm.s32 $execute0_lowered;
	[smem:$0x3FD2] =	sst s25  }
0xa9: {  	s7 =	sshll.u32 s26, $0x1;
	_ =	strace $0x80000046;
	[dreg:$0x1] =	wrdreg $0xFFFFFFFF  }
0xaa: {  	s28 =	simm.s32 $_size_execute0_lowered;
	s6 =	sadd.s32 s6, s7;
	[dreg:$0x0] =	wrdreg $0x0  }
0xab: {  	s7 =	sshll.u32 s28, $0x1;
	[dreg:$0x2] =	wrdreg s6  }
0xac: {  	[dreg:$0x3] =	wrdreg s7  }
0xad: {  	[dreg:$0x4] =	wrdreg $0xC0  }
0xae: {  	_ =	task [dreg:s10], $0x5FFFF  }
0xaf: {  	[dreg:$0x1] =	wrdreg $0xFFFFFFFF  }
0xb0: {  	[dreg:$0x0] =	wrdreg $0x60  }
0xb1: {  	[dreg:$0x2] =	wrdreg s2  }
0xb2: {  	[dreg:$0x3] =	wrdreg s19  }
0xb3: {  	[dreg:$0x4] =	wrdreg s4  }
0xb4: {  	[dreg:$0x5] =	wrdreg s5  }
0xb5: {  	[dreg:$0x6] =	wrdreg $0x6A800  }
0xb6: {  	[dreg:$0x7] =	wrdreg $0x9  }
0xb7: {  	_ =	task.clear_ibuf [dreg:s10], $0x8FFFF;
	_ =	strace $0x90000046  }
0xb8: {  	s29 =	simm.s32 $0x9;
	_ =	strace $0x80000048  }
0xb9: {  	_ =	swait.ge [sflag:s29], $0x1  }
0xba: {  	[sflag:s29] =	ssyncadd.s32 $0xFFFFFFFF  }
0xbb: {  	_ =	strace $0x90000048  }
0xbc: {  	_ =	sfence  }
0xbd: {  	s30 =	sld [smem:$0x0];
	_ =	sdelay $0x2  }
0xbe: {  	s31 =	sshll.u32 s1, $0xD;
	s1 =	sshrl.u32 s1, $0x2  }
0xbf: {  	s3 =	sand.u32 $0x4000, s31;
	s1 =	sadd.s32 s1, s30  }
0xc0: {  	s0 =	sor.u32 s3, s0;
	s1 =	sshll.u32 s1, $0x11  }
0xc1: {  	s0 =	sor.u32 s1, s0  }
0xc2: {  	s0 =	sadd.s32 $0x8F2B, s0  }
0xc3: {  	[sflag:s0] =	ssyncadd.remote.s32 $0x1  }
0xc4: {  	_ =	sfence.sel $0xFFFF  }
0xc5: {  	[dreg:$0x0] =	wrdreg $0xFFFFFFFF;
	(pc) =	sbr.abs _section_cstart, $3  }
0xc6: {  	[dreg:$0x1] =	wrdreg $0xFFFFFFFF  }
0xc7: {  	_ =	task.clear_ibuf [dreg:s10], $0x2FFFF;
	_ =	strace $0x9FFFFFFF  }
0xc8: {  	(tm) =	ssettm $0x7FFFFFFF  }
0xc9: {  	_ =	shalt  }
tec
execute0_lowered:
.L_overlay_start_1:
0x0: {  	(tag) =	ssettag $0x1  }
0x1: {  	s0 =	rddreg [dreg:$0x0]  }
0x2: {  	s1 =	rddreg [dreg:$0x1]  }
0x3: {  	s2 =	rddreg [dreg:$0x3]  }
0x4: {  	s3 =	srdreg.scid;
	s21 =	rddreg [dreg:$0x4];
	s4 =	simm.s32 $0x0  }
0x5: {  	s26 =	stileid.u32;
	s28 =	simm.s32 $0x4;
	s29 =	simm.s32 $0x2  }
0x6: {  	s30 =	simm.s32 $0x1;
	s3 =	sand.u32 $0x1, s3;
	[smem:$0x7FF] =	sst s4  }
0x7: {  	s7 =	sshll.u32 s26, $0xA;
	s9 =	smul.u32 $0xF440, s26;
	s14 =	sadd.s32 $0x1C9F8, s1  }
0x8: {  	s15 =	sadd.s32 $0xE4FC0, s21;
	s16 =	sadd.s32 $0x1D18C, s1;
	s17 =	sadd.s32 $0xE8C60, s21  }
0x9: {  	s18 =	sadd.s32 $0x1D920, s1;
	s19 =	sadd.s32 $0xEC900, s21;
	p0 =	seq.s32 s26, $0xF  }
0xa: {  	s5 =	ssub.s32 $0x2, s3;
	s3 =	sshll.u32 s3, $0x9;
	_ =	strace $0x80000047  }
0xb: {  	s6 =	sshrl.u32 s5, $0x1;
	s3 =	sor.u32 s3, s7;
	s20 =	sshrl.u32 s9, $0x3  }
0xc: {  	s10 =	sadd.s32 $0x3D10, s9;
	s7 =	sadd.s32 s9, s21;
	s24 =	sadd.s32 $0x7A20, s9  }
0xd: {  	s13 =	sadd.s32 $0xB730, s9;
	s23 =	ssub.s32 s5, s6;
	s5 =	sadd.s32 s0, s3  }
0xe: {  	s6 =	sadd.s32 s1, s20;
	s22 =	sshrl.u32 s10, $0x3;
	s9 =	sadd.s32 s10, s21  }
0xf: {  	s25 =	sshrl.u32 s24, $0x3;
	s12 =	sshrl.u32 s13, $0x3;
	s11 =	sadd.s32 s24, s21  }
0x10: {  	s13 =	sadd.s32 s13, s21;
	s20 =	sadd.s32 $0x1E0B4, s1;
	s31 =	sshrl.u32 s3, $0x3  }
0x11: {  	s21 =	sadd.s32 $0xF05A0, s21;
	s24 =	simm.s32 $0x80;
	s0 =	simm.s32 $0x0  }
0x12: {  	s8 =	sadd.s32 s1, s22;
	s10 =	sadd.s32 s1, s25;
	s12 =	sadd.s32 s1, s12  }
0x13: {  	s22 =	sadd.s32 s2, s31;
	s23 =	smax.u32 s23, $0x1;
	s25 =	simm.s32 $0x400  }
.LBB2_1:
0x14: {  	s1 =	sand.u32 $0xC000, s4;
	s2 =	sand.u32 $0x70, s4  }
0x15: {  	s1 =	sor.u32 s2, s1  }
0x16: {  	s31 =	simm.s32 $0x0;
	s1 =	sadd.s32 s1, s5  }
0x17: {  	[tilespmem:s31], [sflag:$0x2] =	stream.strided.gather [hbm4b:s1+s24], $0x200, s25, s24, $0x38;
	[tilespmem:$0x1D9A8] =	vst v63  }
0x18: {  	s2 =	simm.s32 $0x0;
	s1 =	simm.s32 $0x800  }
.LBB2_2:
0x19: {  	s3 =	sand.u32 $0xC000, s1;
	p1 =	sne.s32 s1, $0xC800  }
.Ltmp0:
0x1a: {  	s2 =	sadd.s32 $0x10, s2;
	s26 =	smov.u32 s1;
	(pc) =	sbr.rel @p1 .LBB2_2-.Ltmp0, $4  }
0x1b: {  	s1 =	sadd.s32 $0x800, s1;
	s31 =	sand.u32 $0x70, s2  }
0x1c: {  	s3 =	sor.u32 s31, s3  }
0x1d: {  	s26 =	sshra.s32 s26, $0x2;
	s3 =	sadd.s32 s3, s5  }
0x1e: {  	[tilespmem:s26], [sflag:$0x2] =	stream.strided.gather [hbm4b:s3+s24], $0x200, s25, s24, $0x38;
	[tilespmem:$0x1D9A8] =	vst v63  }
0x1f: {  	s1 =	rddreg [dreg:$0x2];
	s2 =	simm.s32 $0x6800  }
0x20: {  	[tilespmem:s2], [sflag:$0x4] =	stream.linear.gather [hbm4b:s1+s4], $0x1, $0x38;
	[tilespmem:$0x1D9A8] =	vst v63  }
0x21: {  	_ =	swait.ge [sflag:s28], $0x1  }
0x22: {  	s3 =	simm.s32 @p0 $0x4;
	[sflag:s28] =	ssyncset.done $0x0  }
0x23: {  	s1 =	simm.s32 @p0 $0x0;
	s2 =	simm.s32 @p0 $0x15EA8;
	[sflag:s28] =	ssyncadd.s32 $0xFFFFFFFF  }
0x24: {  	[tilespmem:s2], [sflag:$0x4] =	stream.linear.gather @p0 [hbm4b:s14+s1], $0x3CA0, $0x38;
	[tilespmem:$0x1D9A8] =	vst v63  }
0x25: {  	_ =	swait.ge @p0 [sflag:s3], $0x3CA0  }
0x26: {  	[sflag:s3] =	ssyncset.done @p0 $0x0  }
0x27: {  	[sflag:s3] =	ssyncadd.s32 @p0 $0xFFFFC360  }
0x28: {  	[spmem:s15] =	stream.linear.scatter @p0 [tilespmem:s2], [sflag:$0x3], $0x3CA0, $0x38;
	[tilespmem:$0x1D9A8] =	vst v63  }
0x29: {  	s26 =	simm.s32 @p0 $0x19C28  }
0x2a: {  	[tilespmem:s26], [sflag:$0x4] =	stream.linear.gather @p0 [hbm4b:s16+s1], $0x3CA0, $0x38;
	[tilespmem:$0x1D9A8] =	vst v63  }
0x2b: {  	_ =	swait.ge @p0 [sflag:s3], $0x3CA0  }
0x2c: {  	[sflag:s3] =	ssyncset.done @p0 $0x0  }
0x2d: {  	s31 =	simm.s32 @p0 $0x3;
	[sflag:s3] =	ssyncadd.s32 @p0 $0xFFFFC360  }
0x2e: {  	[spmem:s17] =	stream.linear.scatter @p0 [tilespmem:s26], [sflag:$0x3], $0x3CA0, $0x38;
	[tilespmem:$0x1D9A8] =	vst v63  }
0x2f: {  	_ =	swait.ge @p0 [sflag:s31], $0x3CA0  }
0x30: {  	[sflag:s31] =	ssyncset.done @p0 $0x0  }
0x31: {  	[sflag:s31] =	ssyncadd.s32 @p0 $0xFFFFC360  }
0x32: {  	[tilespmem:s2], [sflag:$0x4] =	stream.linear.gather @p0 [hbm4b:s18+s1], $0x3CA0, $0x38;
	[tilespmem:$0x1D9A8] =	vst v63  }
0x33: {  	_ =	swait.ge @p0 [sflag:s3], $0x3CA0  }
0x34: {  	[sflag:s3] =	ssyncset.done @p0 $0x0  }
0x35: {  	[sflag:s3] =	ssyncadd.s32 @p0 $0xFFFFC360  }
0x36: {  	[spmem:s19] =	stream.linear.scatter @p0 [tilespmem:s2], [sflag:$0x3], $0x3CA0, $0x38;
	[tilespmem:$0x1D9A8] =	vst v63  }
0x37: {  	_ =	swait.ge @p0 [sflag:s31], $0x3CA0  }
0x38: {  	[sflag:s31] =	ssyncset.done @p0 $0x0  }
0x39: {  	[sflag:s31] =	ssyncadd.s32 @p0 $0xFFFFC360  }
0x3a: {  	[tilespmem:s26], [sflag:$0x4] =	stream.linear.gather @p0 [hbm4b:s20+s1], $0x3CA0, $0x38;
	[tilespmem:$0x1D9A8] =	vst v63  }
0x3b: {  	_ =	swait.ge @p0 [sflag:s3], $0x3CA0  }
0x3c: {  	[sflag:s3] =	ssyncset.done @p0 $0x0  }
0x3d: {  	[sflag:s3] =	ssyncadd.s32 @p0 $0xFFFFC360  }
0x3e: {  	[spmem:s21] =	stream.linear.scatter @p0 [tilespmem:s26], [sflag:$0x3], $0x3CA0, $0x38;
	[tilespmem:$0x1D9A8] =	vst v63  }
0x3f: {  	_ =	swait.ge @p0 [sflag:s31], $0x3CA0  }
0x40: {  	[sflag:s31] =	ssyncset.done @p0 $0x0  }
0x41: {  	[sflag:s31] =	ssyncadd.s32 @p0 $0xFFFFC360  }
0x42: {  	_ =	swait.ge @p0 [sflag:s31], $0x3CA0  }
0x43: {  	s2 =	simm.s32 @!p0 $0x15EA8;
	[sflag:s31] =	ssyncset.done @p0 $0x0  }
0x44: {  	s1 =	simm.s32 @!p0 $0x0;
	s3 =	simm.s32 @!p0 $0x4;
	[sflag:s31] =	ssyncadd.s32 @p0 $0xFFFFC360  }
0x45: {  	[tilespmem:s2], [sflag:$0x4] =	stream.linear.gather @!p0 [hbm4b:s6+s1], $0x3D10, $0x38;
	[tilespmem:$0x1D9A8] =	vst v63  }
0x46: {  	_ =	swait.ge @!p0 [sflag:s3], $0x3D10  }
0x47: {  	[sflag:s3] =	ssyncset.done @!p0 $0x0  }
0x48: {  	[sflag:s3] =	ssyncadd.s32 @!p0 $0xFFFFC2F0  }
0x49: {  	[spmem:s7] =	stream.linear.scatter @!p0 [tilespmem:s2], [sflag:$0x3], $0x3D10, $0x38;
	[tilespmem:$0x1D9A8] =	vst v63  }
0x4a: {  	s26 =	simm.s32 @!p0 $0x19C28  }
0x4b: {  	[tilespmem:s26], [sflag:$0x4] =	stream.linear.gather @!p0 [hbm4b:s8+s1], $0x3D10, $0x38;
	[tilespmem:$0x1D9A8] =	vst v63  }
0x4c: {  	_ =	swait.ge @!p0 [sflag:s3], $0x3D10  }
0x4d: {  	[sflag:s3] =	ssyncset.done @!p0 $0x0  }
0x4e: {  	s31 =	simm.s32 @!p0 $0x3;
	[sflag:s3] =	ssyncadd.s32 @!p0 $0xFFFFC2F0  }
0x4f: {  	[spmem:s9] =	stream.linear.scatter @!p0 [tilespmem:s26], [sflag:$0x3], $0x3D10, $0x38;
	[tilespmem:$0x1D9A8] =	vst v63  }
0x50: {  	_ =	swait.ge @!p0 [sflag:s31], $0x3D10  }
0x51: {  	[sflag:s31] =	ssyncset.done @!p0 $0x0  }
0x52: {  	[sflag:s31] =	ssyncadd.s32 @!p0 $0xFFFFC2F0  }
0x53: {  	[tilespmem:s2], [sflag:$0x4] =	stream.linear.gather @!p0 [hbm4b:s10+s1], $0x3D10, $0x38;
	[tilespmem:$0x1D9A8] =	vst v63  }
0x54: {  	_ =	swait.ge @!p0 [sflag:s3], $0x3D10  }
0x55: {  	[sflag:s3] =	ssyncset.done @!p0 $0x0  }
0x56: {  	[sflag:s3] =	ssyncadd.s32 @!p0 $0xFFFFC2F0  }
0x57: {  	[spmem:s11] =	stream.linear.scatter @!p0 [tilespmem:s2], [sflag:$0x3], $0x3D10, $0x38;
	[tilespmem:$0x1D9A8] =	vst v63  }
0x58: {  	_ =	swait.ge @!p0 [sflag:s31], $0x3D10  }
0x59: {  	[sflag:s31] =	ssyncset.done @!p0 $0x0  }
0x5a: {  	[sflag:s31] =	ssyncadd.s32 @!p0 $0xFFFFC2F0  }
0x5b: {  	[tilespmem:s26], [sflag:$0x4] =	stream.linear.gather @!p0 [hbm4b:s12+s1], $0x3D10, $0x38;
	[tilespmem:$0x1D9A8] =	vst v63  }
0x5c: {  	_ =	swait.ge @!p0 [sflag:s3], $0x3D10  }
0x5d: {  	[sflag:s3] =	ssyncset.done @!p0 $0x0  }
0x5e: {  	[sflag:s3] =	ssyncadd.s32 @!p0 $0xFFFFC2F0  }
0x5f: {  	[spmem:s13] =	stream.linear.scatter @!p0 [tilespmem:s26], [sflag:$0x3], $0x3D10, $0x38;
	[tilespmem:$0x1D9A8] =	vst v63  }
0x60: {  	_ =	swait.ge @!p0 [sflag:s31], $0x3D10  }
0x61: {  	[sflag:s31] =	ssyncset.done @!p0 $0x0  }
0x62: {  	[sflag:s31] =	ssyncadd.s32 @!p0 $0xFFFFC2F0  }
0x63: {  	_ =	swait.ge @!p0 [sflag:s31], $0x3D10  }
0x64: {  	[sflag:s31] =	ssyncset.done @!p0 $0x0  }
0x65: {  	[sflag:s31] =	ssyncadd.s32 @!p0 $0xFFFFC2F0  }
0x66: {  	_ =	swait.ge [sflag:s29], $0x200  }
0x67: {  	[sflag:s29] =	ssyncset.done $0x0  }
0x68: {  	[sflag:s29] =	ssyncadd.s32 $0xFFFFFE00  }
0x69: {  	_ =	swait.ge [sflag:s29], $0x200  }
0x6a: {  	[sflag:s29] =	ssyncset.done $0x0  }
0x6b: {  	[sflag:s29] =	ssyncadd.s32 $0xFFFFFE00  }
0x6c: {  	_ =	swait.ge [sflag:s29], $0x200  }
0x6d: {  	[sflag:s29] =	ssyncset.done $0x0  }
0x6e: {  	[sflag:s29] =	ssyncadd.s32 $0xFFFFFE00  }
0x6f: {  	_ =	swait.ge [sflag:s29], $0x200  }
0x70: {  	[sflag:s29] =	ssyncset.done $0x0  }
0x71: {  	[sflag:s29] =	ssyncadd.s32 $0xFFFFFE00  }
0x72: {  	_ =	swait.ge [sflag:s29], $0x200  }
0x73: {  	[sflag:s29] =	ssyncset.done $0x0  }
0x74: {  	[sflag:s29] =	ssyncadd.s32 $0xFFFFFE00  }
0x75: {  	_ =	swait.ge [sflag:s29], $0x200  }
0x76: {  	[sflag:s29] =	ssyncset.done $0x0  }
0x77: {  	[sflag:s29] =	ssyncadd.s32 $0xFFFFFE00  }
0x78: {  	_ =	swait.ge [sflag:s29], $0x200  }
0x79: {  	[sflag:s29] =	ssyncset.done $0x0  }
0x7a: {  	[sflag:s29] =	ssyncadd.s32 $0xFFFFFE00  }
0x7b: {  	_ =	swait.ge [sflag:s29], $0x200  }
0x7c: {  	[sflag:s29] =	ssyncset.done $0x0  }
0x7d: {  	[sflag:s29] =	ssyncadd.s32 $0xFFFFFE00  }
0x7e: {  	_ =	swait.ge [sflag:s29], $0x200  }
0x7f: {  	[sflag:s29] =	ssyncset.done $0x0  }
0x80: {  	[sflag:s29] =	ssyncadd.s32 $0xFFFFFE00  }
0x81: {  	_ =	swait.ge [sflag:s29], $0x200  }
0x82: {  	[sflag:s29] =	ssyncset.done $0x0  }
0x83: {  	[sflag:s29] =	ssyncadd.s32 $0xFFFFFE00  }
0x84: {  	_ =	swait.ge [sflag:s29], $0x200  }
0x85: {  	[sflag:s29] =	ssyncset.done $0x0  }
0x86: {  	[sflag:s29] =	ssyncadd.s32 $0xFFFFFE00  }
0x87: {  	_ =	swait.ge [sflag:s29], $0x200  }
0x88: {  	[sflag:s29] =	ssyncset.done $0x0  }
0x89: {  	[sflag:s29] =	ssyncadd.s32 $0xFFFFFE00  }
0x8a: {  	_ =	swait.ge [sflag:s29], $0x200  }
0x8b: {  	[sflag:s29] =	ssyncset.done $0x0  }
0x8c: {  	[sflag:s29] =	ssyncadd.s32 $0xFFFFFE00  }
0x8d: {  	_ =	swait.ge [sflag:s29], $0x200  }
0x8e: {  	[sflag:s29] =	ssyncset.done $0x0  }
0x8f: {  	[sflag:s29] =	ssyncadd.s32 $0xFFFFFE00  }
0x90: {  	_ =	swait.ge [sflag:s29], $0x200  }
0x91: {  	[sflag:s29] =	ssyncset.done $0x0  }
0x92: {  	[sflag:s29] =	ssyncadd.s32 $0xFFFFFE00  }
0x93: {  	_ =	swait.ge [sflag:s29], $0x200  }
0x94: {  	[sflag:s29] =	ssyncset.done $0x0  }
0x95: {  	[sflag:s29] =	ssyncadd.s32 $0xFFFFFE00  }
0x96: {  	_ =	swait.ge [sflag:s29], $0x200  }
0x97: {  	[sflag:s29] =	ssyncset.done $0x0  }
0x98: {  	[sflag:s29] =	ssyncadd.s32 $0xFFFFFE00  }
0x99: {  	_ =	swait.ge [sflag:s29], $0x200  }
0x9a: {  	[sflag:s29] =	ssyncset.done $0x0  }
0x9b: {  	[sflag:s29] =	ssyncadd.s32 $0xFFFFFE00  }
0x9c: {  	_ =	swait.ge [sflag:s29], $0x200  }
0x9d: {  	[sflag:s29] =	ssyncset.done $0x0  }
0x9e: {  	[sflag:s29] =	ssyncadd.s32 $0xFFFFFE00  }
0x9f: {  	_ =	swait.ge [sflag:s29], $0x200  }
0xa0: {  	[sflag:s29] =	ssyncset.done $0x0  }
0xa1: {  	[sflag:s29] =	ssyncadd.s32 $0xFFFFFE00  }
0xa2: {  	_ =	swait.ge [sflag:s29], $0x200  }
0xa3: {  	[sflag:s29] =	ssyncset.done $0x0  }
0xa4: {  	[sflag:s29] =	ssyncadd.s32 $0xFFFFFE00  }
0xa5: {  	_ =	swait.ge [sflag:s29], $0x200  }
0xa6: {  	[sflag:s29] =	ssyncset.done $0x0  }
0xa7: {  	[sflag:s29] =	ssyncadd.s32 $0xFFFFFE00  }
0xa8: {  	_ =	swait.ge [sflag:s29], $0x200  }
0xa9: {  	[sflag:s29] =	ssyncset.done $0x0  }
0xaa: {  	[sflag:s29] =	ssyncadd.s32 $0xFFFFFE00  }
0xab: {  	_ =	swait.ge [sflag:s29], $0x200  }
0xac: {  	[sflag:s29] =	ssyncset.done $0x0  }
0xad: {  	[sflag:s29] =	ssyncadd.s32 $0xFFFFFE00  }
0xae: {  	_ =	swait.ge [sflag:s29], $0x200  }
0xaf: {  	[sflag:s29] =	ssyncset.done $0x0  }
0xb0: {  	[sflag:s29] =	ssyncadd.s32 $0xFFFFFE00  }
0xb1: {  	_ =	swait.ge [sflag:s29], $0x200  }
0xb2: {  	[sflag:s29] =	ssyncset.done $0x0  }
0xb3: {  	[sflag:s29] =	ssyncadd.s32 $0xFFFFFE00  }
0xb4: {  	[bflag:$0x0] =	sbarrier.arrive $0xFFFF  }
0xb5: {  	s2 =	simm.s32 $0x3400;
	s1 =	simm.s32 $0x0;
	s26 =	rddreg [dreg:$0x4]  }
0xb6: {  	[tilespmem:s2], [sflag:$0x1] =	stream.indirect.gather [spmem:s26], $0x1, s1, s2, $0xb8;
	[tilespmem:$0x1D9A8] =	vst v63  }
0xb7: {  	_ =	swait.ge [sflag:s30], $0x3400  }
0xb8: {  	[sflag:s30] =	ssyncset.done $0x0  }
0xb9: {  	[sflag:s30] =	ssyncadd.s32 $0xFFFFCC00  }
0xba: {  	v0 =	vld.msk [tilespmem:$0x6800 ss:$0x0], $0xffff  }
0xbb: {  	v1 =	vld [tilespmem:s2+$0x0]  }
0xbc: {  	s1 =	sand.u32 $0x1F0, s1  }
0xbd: {  	v2 =	vld [tilespmem:s1+$0x3600];
	_ =	sdelay $0x1  }
0xbe: {  	v3 =	vld [tilespmem:s1+$0x3800]  }
0xbf: {  	v1 =	vadd.f32 v1, v0  }
0xc0: {  	v4 =	vld [tilespmem:s1+$0x3A00]  }
0xc1: {  	v1 =	vadd.f32 v2, v1  }
0xc2: {  	v2 =	vld [tilespmem:s1+$0x3C00]  }
0xc3: {  	v1 =	vadd.f32 v3, v1  }
0xc4: {  	v3 =	vld [tilespmem:s1+$0x3E00]  }
0xc5: {  	v1 =	vadd.f32 v4, v1  }
0xc6: {  	v57 =	vld [tilespmem:s1+$0x4000]  }
0xc7: {  	v1 =	vadd.f32 v2, v1  }
0xc8: {  	v2 =	vld [tilespmem:s1+$0x4200]  }
0xc9: {  	v1 =	vadd.f32 v3, v1  }
0xca: {  	v3 =	vld [tilespmem:s1+$0x4400]  }
0xcb: {  	v1 =	vadd.f32 v57, v1  }
0xcc: {  	v58 =	vld [tilespmem:s1+$0x4600]  }
0xcd: {  	v1 =	vadd.f32 v2, v1  }
0xce: {  	v2 =	vld [tilespmem:s1+$0x4800]  }
0xcf: {  	v1 =	vadd.f32 v3, v1  }
0xd0: {  	v3 =	vld [tilespmem:s1+$0x4A00]  }
0xd1: {  	v1 =	vadd.f32 v58, v1  }
0xd2: {  	v59 =	vld [tilespmem:s1+$0x4C00]  }
0xd3: {  	v1 =	vadd.f32 v2, v1  }
0xd4: {  	v2 =	vld [tilespmem:s1+$0x4E00]  }
0xd5: {  	v1 =	vadd.f32 v3, v1  }
0xd6: {  	v3 =	vld [tilespmem:s1+$0x5000]  }
0xd7: {  	v1 =	vadd.f32 v59, v1  }
0xd8: {  	v60 =	vld [tilespmem:s1+$0x5200]  }
0xd9: {  	v1 =	vadd.f32 v2, v1  }
0xda: {  	v2 =	vld [tilespmem:s1+$0x5400]  }
0xdb: {  	v1 =	vadd.f32 v3, v1  }
0xdc: {  	v3 =	vld [tilespmem:s1+$0x5600]  }
0xdd: {  	v1 =	vadd.f32 v60, v1  }
0xde: {  	v61 =	vld [tilespmem:s1+$0x5800]  }
0xdf: {  	v1 =	vadd.f32 v2, v1  }
0xe0: {  	v2 =	vld [tilespmem:s1+$0x5A00]  }
0xe1: {  	v1 =	vadd.f32 v3, v1  }
0xe2: {  	v3 =	vld [tilespmem:s1+$0x5C00]  }
0xe3: {  	v1 =	vadd.f32 v61, v1  }
0xe4: {  	v62 =	vld [tilespmem:s1+$0x5E00]  }
0xe5: {  	v1 =	vadd.f32 v2, v1  }
0xe6: {  	v2 =	vld [tilespmem:s1+$0x6000]  }
0xe7: {  	v1 =	vadd.f32 v3, v1  }
0xe8: {  	v3 =	vld [tilespmem:s1+$0x6200]  }
0xe9: {  	v1 =	vadd.f32 v62, v1  }
0xea: {  	v63 =	vld [tilespmem:s1+$0x6400]  }
0xeb: {  	v1 =	vadd.f32 v2, v1  }
0xec: {  	v2 =	vld [tilespmem:s1+$0x6600]  }
0xed: {  	v1 =	vadd.f32 v3, v1;
	_ =	sdelay $0x1  }
0xee: {  	v1 =	vadd.f32 v63, v1;
	_ =	sdelay $0x1  }
0xef: {  	v1 =	vadd.f32 v2, v1  }
0xf0: {  	s3 =	simm.s32 $0x6880  }
0xf1: {  	s1 =	simm.s32 $0x3410;
	[tilespmem:s3+$0x0] =	vst v1  }
0xf2: {  	s31 =	simm.s32 $0x20;
	s26 =	simm.s32 $0x10;
	v1 =	vld [tilespmem:s1+$0x0]  }
.LBB2_4:
0xf3: {  	p1 =	sne.s32 s31, $0x1F0;
	s2 =	sand.u32 $0x1F0, s26;
	s26 =	smov.u32 s31  }
0xf4: {  	v2 =	vld [tilespmem:s2+$0x3600];
	_ =	sdelay $0x1  }
0xf5: {  	v3 =	vld [tilespmem:s2+$0x3800]  }
0xf6: {  	v1 =	vadd.f32 v1, v0  }
0xf7: {  	v4 =	vld [tilespmem:s2+$0x3A00]  }
0xf8: {  	v1 =	vadd.f32 v2, v1  }
0xf9: {  	v2 =	vld [tilespmem:s2+$0x3C00]  }
0xfa: {  	v1 =	vadd.f32 v3, v1  }
0xfb: {  	v3 =	vld [tilespmem:s2+$0x3E00]  }
0xfc: {  	v1 =	vadd.f32 v4, v1  }
0xfd: {  	v4 =	vld [tilespmem:s2+$0x4000]  }
0xfe: {  	v1 =	vadd.f32 v2, v1  }
0xff: {  	v2 =	vld [tilespmem:s2+$0x4200]  }
0x100: {  	v1 =	vadd.f32 v3, v1  }
0x101: {  	v3 =	vld [tilespmem:s2+$0x4400]  }
0x102: {  	v1 =	vadd.f32 v4, v1  }
0x103: {  	v4 =	vld [tilespmem:s2+$0x4600]  }
0x104: {  	v1 =	vadd.f32 v2, v1  }
0x105: {  	v2 =	vld [tilespmem:s2+$0x4800]  }
0x106: {  	v1 =	vadd.f32 v3, v1  }
0x107: {  	v3 =	vld [tilespmem:s2+$0x4A00]  }
0x108: {  	v1 =	vadd.f32 v4, v1  }
0x109: {  	v4 =	vld [tilespmem:s2+$0x4C00]  }
0x10a: {  	v1 =	vadd.f32 v2, v1  }
0x10b: {  	v2 =	vld [tilespmem:s2+$0x4E00]  }
0x10c: {  	v1 =	vadd.f32 v3, v1  }
0x10d: {  	v3 =	vld [tilespmem:s2+$0x5000]  }
0x10e: {  	v1 =	vadd.f32 v4, v1  }
0x10f: {  	v4 =	vld [tilespmem:s2+$0x5200]  }
0x110: {  	v1 =	vadd.f32 v2, v1  }
0x111: {  	v2 =	vld [tilespmem:s2+$0x5400]  }
0x112: {  	v1 =	vadd.f32 v3, v1  }
0x113: {  	v3 =	vld [tilespmem:s2+$0x5600]  }
0x114: {  	v1 =	vadd.f32 v4, v1  }
0x115: {  	v4 =	vld [tilespmem:s2+$0x5800]  }
0x116: {  	v1 =	vadd.f32 v2, v1  }
0x117: {  	v2 =	vld [tilespmem:s2+$0x5A00]  }
0x118: {  	v1 =	vadd.f32 v3, v1  }
0x119: {  	v3 =	vld [tilespmem:s2+$0x5C00]  }
0x11a: {  	v1 =	vadd.f32 v4, v1  }
0x11b: {  	v4 =	vld [tilespmem:s2+$0x5E00]  }
0x11c: {  	v1 =	vadd.f32 v2, v1  }
0x11d: {  	v2 =	vld [tilespmem:s2+$0x6000]  }
0x11e: {  	v1 =	vadd.f32 v3, v1  }
0x11f: {  	v3 =	vld [tilespmem:s2+$0x6200]  }
0x120: {  	v1 =	vadd.f32 v4, v1  }
0x121: {  	v4 =	vld [tilespmem:s2+$0x6400]  }
0x122: {  	v1 =	vadd.f32 v2, v1  }
0x123: {  	v2 =	vld [tilespmem:s2+$0x6600]  }
0x124: {  	v1 =	vadd.f32 v3, v1;
	_ =	sdelay $0x1  }
0x125: {  	v1 =	vadd.f32 v4, v1  }
.Ltmp1:
0x126: {  	(pc) =	sbr.rel @p1 .LBB2_4-.Ltmp1, $4  }
0x127: {  	v1 =	vadd.f32 v2, v1  }
0x128: {  	s3 =	sadd.s32 $0x10, s3  }
0x129: {  	s1 =	sadd.s32 $0x10, s1;
	[tilespmem:s3+$0x0] =	vst v1  }
0x12a: {  	s31 =	sadd.s32 $0x10, s31;
	v1 =	vld [tilespmem:s1+$0x0]  }
0x12b: {  	s1 =	sand.u32 $0x1F0, s26  }
0x12c: {  	v2 =	vld [tilespmem:s1+$0x3600];
	_ =	sdelay $0x1  }
0x12d: {  	v3 =	vld [tilespmem:s1+$0x3800]  }
0x12e: {  	v0 =	vadd.f32 v1, v0  }
0x12f: {  	v41 =	vld [tilespmem:s1+$0x3A00]  }
0x130: {  	v0 =	vadd.f32 v2, v0  }
0x131: {  	v42 =	vld [tilespmem:s1+$0x3C00]  }
0x132: {  	v0 =	vadd.f32 v3, v0  }
0x133: {  	v43 =	vld [tilespmem:s1+$0x3E00]  }
0x134: {  	v0 =	vadd.f32 v41, v0  }
0x135: {  	v44 =	vld [tilespmem:s1+$0x4000]  }
0x136: {  	v0 =	vadd.f32 v42, v0  }
0x137: {  	v45 =	vld [tilespmem:s1+$0x4200]  }
0x138: {  	v0 =	vadd.f32 v43, v0  }
0x139: {  	v46 =	vld [tilespmem:s1+$0x4400]  }
0x13a: {  	v0 =	vadd.f32 v44, v0  }
0x13b: {  	v47 =	vld [tilespmem:s1+$0x4600]  }
0x13c: {  	v0 =	vadd.f32 v45, v0  }
0x13d: {  	v48 =	vld [tilespmem:s1+$0x4800]  }
0x13e: {  	v0 =	vadd.f32 v46, v0  }
0x13f: {  	v49 =	vld [tilespmem:s1+$0x4A00]  }
0x140: {  	v0 =	vadd.f32 v47, v0  }
0x141: {  	v50 =	vld [tilespmem:s1+$0x4C00]  }
0x142: {  	v0 =	vadd.f32 v48, v0  }
0x143: {  	v51 =	vld [tilespmem:s1+$0x4E00]  }
0x144: {  	v0 =	vadd.f32 v49, v0  }
0x145: {  	v52 =	vld [tilespmem:s1+$0x5000]  }
0x146: {  	v0 =	vadd.f32 v50, v0  }
0x147: {  	v53 =	vld [tilespmem:s1+$0x5200]  }
0x148: {  	v0 =	vadd.f32 v51, v0  }
0x149: {  	v54 =	vld [tilespmem:s1+$0x5400]  }
0x14a: {  	v0 =	vadd.f32 v52, v0  }
0x14b: {  	v55 =	vld [tilespmem:s1+$0x5600]  }
0x14c: {  	v0 =	vadd.f32 v53, v0  }
0x14d: {  	v56 =	vld [tilespmem:s1+$0x5800]  }
0x14e: {  	v0 =	vadd.f32 v54, v0  }
0x14f: {  	v57 =	vld [tilespmem:s1+$0x5A00]  }
0x150: {  	v0 =	vadd.f32 v55, v0  }
0x151: {  	v58 =	vld [tilespmem:s1+$0x5C00]  }
0x152: {  	v0 =	vadd.f32 v56, v0  }
0x153: {  	v59 =	vld [tilespmem:s1+$0x5E00]  }
0x154: {  	v0 =	vadd.f32 v57, v0  }
0x155: {  	v60 =	vld [tilespmem:s1+$0x6000]  }
0x156: {  	v0 =	vadd.f32 v58, v0  }
0x157: {  	v61 =	vld [tilespmem:s1+$0x6200]  }
0x158: {  	v0 =	vadd.f32 v59, v0  }
0x159: {  	v62 =	vld [tilespmem:s1+$0x6400]  }
0x15a: {  	v0 =	vadd.f32 v60, v0  }
0x15b: {  	v63 =	vld [tilespmem:s1+$0x6600]  }
0x15c: {  	v0 =	vadd.f32 v61, v0;
	_ =	sdelay $0x1  }
0x15d: {  	v0 =	vadd.f32 v62, v0;
	_ =	sdelay $0x1  }
0x15e: {  	s0 =	sadd.s32 $0x1, s0;
	v0 =	vadd.f32 v63, v0  }
0x15f: {  	s26 =	sadd.s32 $0x10, s3;
	p1 =	sne.s32 s0, s23  }
.Ltmp2:
0x160: {  	s31 =	simm.s32 $0x6880;
	[tilespmem:s26+$0x0] =	vst v0;
	(pc) =	sbr.rel @p1 .LBB2_1-.Ltmp2, $4  }
0x161: {  	[hbm4b:s22+s4] =	stream.linear.scatter [tilespmem:s31], [sflag:$0x4], $0x200, $0x38;
	[tilespmem:$0x1D9A8] =	vst v63  }
0x162: {  	_ =	swait.ge [sflag:s28], $0x200  }
0x163: {  	[sflag:s28] =	ssyncset.done $0x0  }
0x164: {  	[sflag:s28] =	ssyncadd.s32 $0xFFFFFE00  }
0x165: {  	_ =	sfence.sel $0x180000  }
0x166: {  	[bflag:$0x0] =	sbarrier.arrive $0xFFFF  }
0x167: {  	_ =	strace $0x90000047  }
0x168: {  	s0 =	stileid.u32;
	[bflag:$0x2] =	sbarrier.arrive $0xFFFF  }
0x169: {  	p0 =	sne.s32 s0, $0x0;
	s0 =	rddreg [dreg:$0x5]  }
0x16a: {  	s0 =	sadd.s32 @!p0 $0x100000, s0  }
0x16b: {  	[sflag:s0] =	ssyncadd.tile.s32 @!p0 $0x1;
	_ =	shalt  }
.Lfunc_end2:
_tile_overlayer_lowered:
.L_overlay_start_2:
0x16c: {  	(tag) =	ssettag $0x2  }
0x16d: {  	s0 =	rddreg [dreg:$0x0];
	s2 =	stileid.u32  }
0x16e: {  	s1 =	rddreg [dreg:$0x1];
	p0 =	sne.s32 s2, $0x0  }
0x16f: {  	s3 =	rddreg [dreg:$0x2];
	[bflag:$0x3] =	sbarrier.arrive $0xFFFF;
	s2 =	simm.s32 @!p0 $0x1C04  }
0x170: {  	[timem:s3], [sflag:s2] =	dma.local @!p0 [hbm:s0], s1  }
0x171: {  	s0 =	simm.s32 @!p0 $0x4  }
0x172: {  	_ =	swait.ge @!p0 [sflag:s0], s1  }
0x173: {  	s1 =	ssub.s32 @!p0 $0x0, s1;
	[sflag:s0] =	ssyncset.done @!p0 $0x0  }
0x174: {  	[sflag:s0] =	ssyncadd.s32 @!p0 s1  }
0x175: {  	[bflag:$0x3] =	sbarrier.arrive $0xFFFF  }
0x176: {  	_ =	shalt  }

</sc_bundles>
